<compile_context>
chip_gen: v7x
topology: tpu7x:2x2x1
jax: 0.10.2.dev20260603
libtpu: 0.0.44.dev20260713+nightly
codegen_flags: <defaults>
</compile_context>

<pallas_src>
import functools

import jax
import jax.numpy as jnp
from jax import lax
from jax.experimental import pallas as pl
from jax.experimental.pallas import tpu as pltpu
from jax.experimental.pallas import tpu_sc as plsc

BATCH = 16384
D_ID = 128
D_REVIEW = 64
CHUNK = 128


def _build_kernels():
    info = plsc.get_sparse_core_info()
    num_cores = info.num_cores
    num_workers = num_cores * info.num_subcores
    b_per_w = BATCH // num_workers
    n_chunks = b_per_w // CHUNK

    mesh = plsc.VectorSubcoreMesh(core_axis_name="c", subcore_axis_name="s")
    params = pltpu.CompilerParams(
        use_tc_tiling_on_sc=True, needs_layout_passes=False)

    def make_gather(n_tables):
        @functools.partial(
            pl.kernel,
            mesh=mesh,
            compiler_params=params,
            out_type=[jax.ShapeDtypeStruct((BATCH, D_ID), jnp.float32)
                      for _ in range(n_tables)],
            scratch_types=(
                [pltpu.VMEM((n_chunks, CHUNK), jnp.int32)]
                + [pltpu.VMEM((CHUNK, D_ID), jnp.float32)
                   for _ in range(2 * n_tables)]
                + [pltpu.SemaphoreType.DMA] * 4
            ),
        )
        def gather_k(*refs):
            idx_hbm = refs[0]
            tables = refs[1:1 + n_tables]
            outs = refs[1 + n_tables:1 + 2 * n_tables]
            idx_v = refs[1 + 2 * n_tables]
            vbufs = refs[2 + 2 * n_tables:2 + 2 * n_tables + 2 * n_tables]
            gs0, gs1, os0, os1 = refs[-4:]

            wid = lax.axis_index("s") * num_cores + lax.axis_index("c")
            base = wid * b_per_w
            for j in range(n_chunks):
                pltpu.sync_copy(idx_hbm.at[pl.ds(base + j * CHUNK, CHUNK)],
                                idx_v.at[j])

            slots = (
                (vbufs[:n_tables], gs0, os0),
                (vbufs[n_tables:], gs1, os1),
            )

            def start_gather(j, s):
                bufs, gs, _ = slots[s]
                return [pltpu.async_copy(t.at[idx_v.at[j]], b, gs)
                        for t, b in zip(tables, bufs)]

            def start_copyout(j, s):
                bufs, _, os = slots[s]
                off = base + j * CHUNK
                return [pltpu.async_copy(b, o.at[pl.ds(off, CHUNK)], os)
                        for b, o in zip(bufs, outs)]

            gather_h = [None, None]
            copy_h = [None, None]
            for j in range(min(2, n_chunks)):
                gather_h[j] = start_gather(j, j)
            for j in range(n_chunks):
                s = j % 2
                if copy_h[s] is not None:
                    for h in copy_h[s]:
                        h.wait()
                    copy_h[s] = None
                    gather_h[s] = start_gather(j, s)
                for h in gather_h[s]:
                    h.wait()
                copy_h[s] = start_copyout(j, s)
            for s in range(2):
                if copy_h[s] is not None:
                    for h in copy_h[s]:
                        h.wait()

        return gather_k

    return make_gather(2), make_gather(1)


def kernel(nodes_u, global_protos, u_emb_weight, u_review_weight):
    kernel_pe, kernel_rev = _build_kernels()
    idx = nodes_u.astype(jnp.int32)
    rev_pad = jnp.pad(u_review_weight, ((0, 0), (0, D_ID - D_REVIEW)))
    proto_feats, u_id_feats = kernel_pe(idx, global_protos, u_emb_weight)
    rev_pad, proto_feats, u_id_feats = lax.optimization_barrier(
        (rev_pad, proto_feats, u_id_feats))
    (review_wide,) = kernel_rev(idx, rev_pad)
    return (proto_feats, u_id_feats, review_wide[:, :D_REVIEW])

# --- scband reference (transcript-rebuilt; emitter-appended) ---
"""Pipeline reference for scband-local-model-16612933501417 (READ-ONLY COPY).

The authoritative reference and input builder live on the scoring server;
editing this copy changes nothing except your own understanding.
"""

import jax, jax.numpy as jnp
import numpy as np

USER_NUM = 100000
EMBED_ID_DIM = 128
REVIEW_EMBED_DIM = 64
BATCH = 16384

def _xavier_uniform(key, shape):
    fan_in, fan_out = shape[1], shape[0]
    limit = float(np.sqrt(6.0 / (fan_in + fan_out)))
    return jax.random.uniform(key, shape, minval=-limit, maxval=limit, dtype=jnp.float32)

def setup_inputs(seed: int = 0) -> dict:
    key = jax.random.key(seed)
    k1, k2, k3, k4 = jax.random.split(key, 4)
    nodes_u = jax.random.randint(k1, (BATCH,), 0, USER_NUM, dtype=jnp.int64 if jax.config.jax_enable_x64 else jnp.int32)
    global_protos = jax.random.normal(k2, (USER_NUM, EMBED_ID_DIM), dtype=jnp.float32)
    u_emb_weight = _xavier_uniform(k3, (USER_NUM, EMBED_ID_DIM))
    u_review_weight = jax.random.normal(k4, (USER_NUM, REVIEW_EMBED_DIM), dtype=jnp.float32)
    return {
        "nodes_u": nodes_u,
        "global_protos": global_protos,
        "u_emb_weight": u_emb_weight,
        "u_review_weight": u_review_weight,
    }

def reference(nodes_u, global_protos, u_emb_weight, u_review_weight):
    # u_id_feats = self.u_emb(nodes_u)
    u_id_feats = jnp.take(u_emb_weight, nodes_u, axis=0)
    # u_review_feats = self.u_review_feat_emb(nodes_u)
    u_review_feats = jnp.take(u_review_weight, nodes_u, axis=0)
    # proto_feats = torch.tensor([global_protos[label] for label in nodes_u.tolist()]).float()
    proto_feats = jnp.take(global_protos, nodes_u, axis=0).astype(jnp.float32)
    u_feats = proto_feats
    return (u_feats, u_id_feats, u_review_feats)

if __name__ == "__main__":
    import jax
    _d = setup_inputs()
    print(jax.jit(kernel)(*tuple(_d.values())))

</pallas_src>

<mosaic_0001>
#map = affine_map<(d0, d1) -> (0)>
#map1 = affine_map<(d0, d1) -> (0, 0)>
module attributes {stable_mosaic.version = 14 : i64} {
  func.func @gather_k(%arg0: i32, %arg1: i32, %arg2: memref<16384xi32, #tpu.memory_space<hbm>>, %arg3: memref<100000x128xf32, #tpu.memory_space<hbm>>, %arg4: memref<100000x128xf32, #tpu.memory_space<hbm>>, %arg5: memref<16384x128xf32, #tpu.memory_space<hbm>>, %arg6: memref<16384x128xf32, #tpu.memory_space<hbm>>, %arg7: memref<4x128xi32, #tpu.memory_space<vmem>>, %arg8: memref<128x128xf32, #tpu.memory_space<vmem>>, %arg9: memref<128x128xf32, #tpu.memory_space<vmem>>, %arg10: memref<128x128xf32, #tpu.memory_space<vmem>>, %arg11: memref<128x128xf32, #tpu.memory_space<vmem>>, %arg12: memref<!tpu.dma_semaphore, #tpu.memory_space<semaphore_mem>>, %arg13: memref<!tpu.dma_semaphore, #tpu.memory_space<semaphore_mem>>, %arg14: memref<!tpu.dma_semaphore, #tpu.memory_space<semaphore_mem>>, %arg15: memref<!tpu.dma_semaphore, #tpu.memory_space<semaphore_mem>>) attributes {dimension_semantics = [#tpu.dimension_semantics<core_parallel>, #tpu.dimension_semantics<subcore_parallel>], iteration_bounds = array<i64: 2, 16>, scalar_prefetch = 0 : i64, scratch_operands = 9 : i64, tpu.core_type = #tpu.core_type<sc_vector_subcore>, window_params = [{transform_indices = #map}, {transform_indices = #map1}, {transform_indices = #map1}, {transform_indices = #map1}, {transform_indices = #map1}]} {
    %mul3A = arith.constant 2 : i32
    %mul3A_0 = arith.muli %arg1, %mul3A : i32
    %add3A = arith.addi %mul3A_0, %arg0 : i32
    %mul3A_1 = arith.constant 512 : i32
    %mul3A_2 = arith.muli %add3A, %mul3A_1 : i32
    %add3A_3 = arith.constant 0 : i32
    %add3A_4 = arith.addi %mul3A_2, %add3A_3 : i32
    %run_scoped3A = arith.constant 0 : i32
    "tpu.region"() ({
      %run_scoped3A_196 = tpu.sem_alloc : memref<!tpu.dma_semaphore, #tpu.memory_space<semaphore_mem>>
      %dma_start3A_197 = arith.constant 0 : i32
      %dma_start3A_198 = tpu.memref_slice %arg7[%run_scoped3A, %dma_start3A_197] : memref<4x128xi32, #tpu.memory_space<vmem>> -> memref<1x128xi32, #tpu.memory_space<vmem>>
      %dma_start3A_199 = tpu.memref_squeeze %dma_start3A_198 : memref<1x128xi32, #tpu.memory_space<vmem>> -> memref<128xi32, #tpu.memory_space<vmem>>
      %dma_start3A_200 = tpu.memref_slice %arg2[%add3A_4] : memref<16384xi32, #tpu.memory_space<hbm>> -> memref<128xi32, #tpu.memory_space<hbm>>
      %dma_start3A_201 = arith.constant 0 : i32
      %dma_start3A_202 = tpu.memref_slice %arg7[%run_scoped3A, %dma_start3A_201] : memref<4x128xi32, #tpu.memory_space<vmem>> -> memref<1x128xi32, #tpu.memory_space<vmem>>
      %dma_start3A_203 = tpu.memref_squeeze %dma_start3A_202 : memref<1x128xi32, #tpu.memory_space<vmem>> -> memref<128xi32, #tpu.memory_space<vmem>>
      %dma_start3A_204 = tpu.memref_slice %arg2[%add3A_4] : memref<16384xi32, #tpu.memory_space<hbm>> -> memref<128xi32, #tpu.memory_space<hbm>>
      tpu.enqueue_dma source(%dma_start3A_204 : memref<128xi32, #tpu.memory_space<hbm>>) target(%dma_start3A_203 : memref<128xi32, #tpu.memory_space<vmem>>) target_semaphore(%run_scoped3A_196 : memref<!tpu.dma_semaphore, #tpu.memory_space<semaphore_mem>>)
      %dma_wait3A_205 = arith.constant 0 : i32
      %dma_wait3A_206 = tpu.memref_slice %arg7[%run_scoped3A, %dma_wait3A_205] : memref<4x128xi32, #tpu.memory_space<vmem>> -> memref<1x128xi32, #tpu.memory_space<vmem>>
      %dma_wait3A_207 = tpu.memref_squeeze %dma_wait3A_206 : memref<1x128xi32, #tpu.memory_space<vmem>> -> memref<128xi32, #tpu.memory_space<vmem>>
      %dma_wait3A_208 = tpu.memref_slice %arg2[%add3A_4] : memref<16384xi32, #tpu.memory_space<hbm>> -> memref<128xi32, #tpu.memory_space<hbm>>
      %dma_wait3A_209 = arith.constant 0 : i32
      %dma_wait3A_210 = tpu.memref_slice %arg7[%run_scoped3A, %dma_wait3A_209] : memref<4x128xi32, #tpu.memory_space<vmem>> -> memref<1x128xi32, #tpu.memory_space<vmem>>
      %dma_wait3A_211 = tpu.memref_squeeze %dma_wait3A_210 : memref<1x128xi32, #tpu.memory_space<vmem>> -> memref<128xi32, #tpu.memory_space<vmem>>
      %dma_wait3A_212 = tpu.memref_slice %arg2[%add3A_4] : memref<16384xi32, #tpu.memory_space<hbm>> -> memref<128xi32, #tpu.memory_space<hbm>>
      tpu.wait_dma2 semaphore(%run_scoped3A_196 : memref<!tpu.dma_semaphore, #tpu.memory_space<semaphore_mem>>) src(%dma_wait3A_212 : memref<128xi32, #tpu.memory_space<hbm>>) dst(%dma_wait3A_211 : memref<128xi32, #tpu.memory_space<vmem>>)
      tpu.yield
    }) : () -> ()
    %add3A_5 = arith.constant 128 : i32
    %add3A_6 = arith.addi %mul3A_2, %add3A_5 : i32
    %run_scoped3A_7 = arith.constant 1 : i32
    "tpu.region"() ({
      %run_scoped3A_196 = tpu.sem_alloc : memref<!tpu.dma_semaphore, #tpu.memory_space<semaphore_mem>>
      %dma_start3A_197 = arith.constant 0 : i32
      %dma_start3A_198 = tpu.memref_slice %arg7[%run_scoped3A_7, %dma_start3A_197] : memref<4x128xi32, #tpu.memory_space<vmem>> -> memref<1x128xi32, #tpu.memory_space<vmem>>
      %dma_start3A_199 = tpu.memref_squeeze %dma_start3A_198 : memref<1x128xi32, #tpu.memory_space<vmem>> -> memref<128xi32, #tpu.memory_space<vmem>>
      %dma_start3A_200 = tpu.memref_slice %arg2[%add3A_6] : memref<16384xi32, #tpu.memory_space<hbm>> -> memref<128xi32, #tpu.memory_space<hbm>>
      %dma_start3A_201 = arith.constant 0 : i32
      %dma_start3A_202 = tpu.memref_slice %arg7[%run_scoped3A_7, %dma_start3A_201] : memref<4x128xi32, #tpu.memory_space<vmem>> -> memref<1x128xi32, #tpu.memory_space<vmem>>
      %dma_start3A_203 = tpu.memref_squeeze %dma_start3A_202 : memref<1x128xi32, #tpu.memory_space<vmem>> -> memref<128xi32, #tpu.memory_space<vmem>>
      %dma_start3A_204 = tpu.memref_slice %arg2[%add3A_6] : memref<16384xi32, #tpu.memory_space<hbm>> -> memref<128xi32, #tpu.memory_space<hbm>>
      tpu.enqueue_dma source(%dma_start3A_204 : memref<128xi32, #tpu.memory_space<hbm>>) target(%dma_start3A_203 : memref<128xi32, #tpu.memory_space<vmem>>) target_semaphore(%run_scoped3A_196 : memref<!tpu.dma_semaphore, #tpu.memory_space<semaphore_mem>>)
      %dma_wait3A_205 = arith.constant 0 : i32
      %dma_wait3A_206 = tpu.memref_slice %arg7[%run_scoped3A_7, %dma_wait3A_205] : memref<4x128xi32, #tpu.memory_space<vmem>> -> memref<1x128xi32, #tpu.memory_space<vmem>>
      %dma_wait3A_207 = tpu.memref_squeeze %dma_wait3A_206 : memref<1x128xi32, #tpu.memory_space<vmem>> -> memref<128xi32, #tpu.memory_space<vmem>>
      %dma_wait3A_208 = tpu.memref_slice %arg2[%add3A_6] : memref<16384xi32, #tpu.memory_space<hbm>> -> memref<128xi32, #tpu.memory_space<hbm>>
      %dma_wait3A_209 = arith.constant 0 : i32
      %dma_wait3A_210 = tpu.memref_slice %arg7[%run_scoped3A_7, %dma_wait3A_209] : memref<4x128xi32, #tpu.memory_space<vmem>> -> memref<1x128xi32, #tpu.memory_space<vmem>>
      %dma_wait3A_211 = tpu.memref_squeeze %dma_wait3A_210 : memref<1x128xi32, #tpu.memory_space<vmem>> -> memref<128xi32, #tpu.memory_space<vmem>>
      %dma_wait3A_212 = tpu.memref_slice %arg2[%add3A_6] : memref<16384xi32, #tpu.memory_space<hbm>> -> memref<128xi32, #tpu.memory_space<hbm>>
      tpu.wait_dma2 semaphore(%run_scoped3A_196 : memref<!tpu.dma_semaphore, #tpu.memory_space<semaphore_mem>>) src(%dma_wait3A_212 : memref<128xi32, #tpu.memory_space<hbm>>) dst(%dma_wait3A_211 : memref<128xi32, #tpu.memory_space<vmem>>)
      tpu.yield
    }) : () -> ()
    %add3A_8 = arith.constant 256 : i32
    %add3A_9 = arith.addi %mul3A_2, %add3A_8 : i32
    %run_scoped3A_10 = arith.constant 2 : i32
    "tpu.region"() ({
      %run_scoped3A_196 = tpu.sem_alloc : memref<!tpu.dma_semaphore, #tpu.memory_space<semaphore_mem>>
      %dma_start3A_197 = arith.constant 0 : i32
      %dma_start3A_198 = tpu.memref_slice %arg7[%run_scoped3A_10, %dma_start3A_197] : memref<4x128xi32, #tpu.memory_space<vmem>> -> memref<1x128xi32, #tpu.memory_space<vmem>>
      %dma_start3A_199 = tpu.memref_squeeze %dma_start3A_198 : memref<1x128xi32, #tpu.memory_space<vmem>> -> memref<128xi32, #tpu.memory_space<vmem>>
      %dma_start3A_200 = tpu.memref_slice %arg2[%add3A_9] : memref<16384xi32, #tpu.memory_space<hbm>> -> memref<128xi32, #tpu.memory_space<hbm>>
      %dma_start3A_201 = arith.constant 0 : i32
      %dma_start3A_202 = tpu.memref_slice %arg7[%run_scoped3A_10, %dma_start3A_201] : memref<4x128xi32, #tpu.memory_space<vmem>> -> memref<1x128xi32, #tpu.memory_space<vmem>>
      %dma_start3A_203 = tpu.memref_squeeze %dma_start3A_202 : memref<1x128xi32, #tpu.memory_space<vmem>> -> memref<128xi32, #tpu.memory_space<vmem>>
      %dma_start3A_204 = tpu.memref_slice %arg2[%add3A_9] : memref<16384xi32, #tpu.memory_space<hbm>> -> memref<128xi32, #tpu.memory_space<hbm>>
      tpu.enqueue_dma source(%dma_start3A_204 : memref<128xi32, #tpu.memory_space<hbm>>) target(%dma_start3A_203 : memref<128xi32, #tpu.memory_space<vmem>>) target_semaphore(%run_scoped3A_196 : memref<!tpu.dma_semaphore, #tpu.memory_space<semaphore_mem>>)
      %dma_wait3A_205 = arith.constant 0 : i32
      %dma_wait3A_206 = tpu.memref_slice %arg7[%run_scoped3A_10, %dma_wait3A_205] : memref<4x128xi32, #tpu.memory_space<vmem>> -> memref<1x128xi32, #tpu.memory_space<vmem>>
      %dma_wait3A_207 = tpu.memref_squeeze %dma_wait3A_206 : memref<1x128xi32, #tpu.memory_space<vmem>> -> memref<128xi32, #tpu.memory_space<vmem>>
      %dma_wait3A_208 = tpu.memref_slice %arg2[%add3A_9] : memref<16384xi32, #tpu.memory_space<hbm>> -> memref<128xi32, #tpu.memory_space<hbm>>
      %dma_wait3A_209 = arith.constant 0 : i32
      %dma_wait3A_210 = tpu.memref_slice %arg7[%run_scoped3A_10, %dma_wait3A_209] : memref<4x128xi32, #tpu.memory_space<vmem>> -> memref<1x128xi32, #tpu.memory_space<vmem>>
      %dma_wait3A_211 = tpu.memref_squeeze %dma_wait3A_210 : memref<1x128xi32, #tpu.memory_space<vmem>> -> memref<128xi32, #tpu.memory_space<vmem>>
      %dma_wait3A_212 = tpu.memref_slice %arg2[%add3A_9] : memref<16384xi32, #tpu.memory_space<hbm>> -> memref<128xi32, #tpu.memory_space<hbm>>
      tpu.wait_dma2 semaphore(%run_scoped3A_196 : memref<!tpu.dma_semaphore, #tpu.memory_space<semaphore_mem>>) src(%dma_wait3A_212 : memref<128xi32, #tpu.memory_space<hbm>>) dst(%dma_wait3A_211 : memref<128xi32, #tpu.memory_space<vmem>>)
      tpu.yield
    }) : () -> ()
    %add3A_11 = arith.constant 384 : i32
    %add3A_12 = arith.addi %mul3A_2, %add3A_11 : i32
    %run_scoped3A_13 = arith.constant 3 : i32
    "tpu.region"() ({
      %run_scoped3A_196 = tpu.sem_alloc : memref<!tpu.dma_semaphore, #tpu.memory_space<semaphore_mem>>
      %dma_start3A_197 = arith.constant 0 : i32
      %dma_start3A_198 = tpu.memref_slice %arg7[%run_scoped3A_13, %dma_start3A_197] : memref<4x128xi32, #tpu.memory_space<vmem>> -> memref<1x128xi32, #tpu.memory_space<vmem>>
      %dma_start3A_199 = tpu.memref_squeeze %dma_start3A_198 : memref<1x128xi32, #tpu.memory_space<vmem>> -> memref<128xi32, #tpu.memory_space<vmem>>
      %dma_start3A_200 = tpu.memref_slice %arg2[%add3A_12] : memref<16384xi32, #tpu.memory_space<hbm>> -> memref<128xi32, #tpu.memory_space<hbm>>
      %dma_start3A_201 = arith.constant 0 : i32
      %dma_start3A_202 = tpu.memref_slice %arg7[%run_scoped3A_13, %dma_start3A_201] : memref<4x128xi32, #tpu.memory_space<vmem>> -> memref<1x128xi32, #tpu.memory_space<vmem>>
      %dma_start3A_203 = tpu.memref_squeeze %dma_start3A_202 : memref<1x128xi32, #tpu.memory_space<vmem>> -> memref<128xi32, #tpu.memory_space<vmem>>
      %dma_start3A_204 = tpu.memref_slice %arg2[%add3A_12] : memref<16384xi32, #tpu.memory_space<hbm>> -> memref<128xi32, #tpu.memory_space<hbm>>
      tpu.enqueue_dma source(%dma_start3A_204 : memref<128xi32, #tpu.memory_space<hbm>>) target(%dma_start3A_203 : memref<128xi32, #tpu.memory_space<vmem>>) target_semaphore(%run_scoped3A_196 : memref<!tpu.dma_semaphore, #tpu.memory_space<semaphore_mem>>)
      %dma_wait3A_205 = arith.constant 0 : i32
      %dma_wait3A_206 = tpu.memref_slice %arg7[%run_scoped3A_13, %dma_wait3A_205] : memref<4x128xi32, #tpu.memory_space<vmem>> -> memref<1x128xi32, #tpu.memory_space<vmem>>
      %dma_wait3A_207 = tpu.memref_squeeze %dma_wait3A_206 : memref<1x128xi32, #tpu.memory_space<vmem>> -> memref<128xi32, #tpu.memory_space<vmem>>
      %dma_wait3A_208 = tpu.memref_slice %arg2[%add3A_12] : memref<16384xi32, #tpu.memory_space<hbm>> -> memref<128xi32, #tpu.memory_space<hbm>>
      %dma_wait3A_209 = arith.constant 0 : i32
      %dma_wait3A_210 = tpu.memref_slice %arg7[%run_scoped3A_13, %dma_wait3A_209] : memref<4x128xi32, #tpu.memory_space<vmem>> -> memref<1x128xi32, #tpu.memory_space<vmem>>
      %dma_wait3A_211 = tpu.memref_squeeze %dma_wait3A_210 : memref<1x128xi32, #tpu.memory_space<vmem>> -> memref<128xi32, #tpu.memory_space<vmem>>
      %dma_wait3A_212 = tpu.memref_slice %arg2[%add3A_12] : memref<16384xi32, #tpu.memory_space<hbm>> -> memref<128xi32, #tpu.memory_space<hbm>>
      tpu.wait_dma2 semaphore(%run_scoped3A_196 : memref<!tpu.dma_semaphore, #tpu.memory_space<semaphore_mem>>) src(%dma_wait3A_212 : memref<128xi32, #tpu.memory_space<hbm>>) dst(%dma_wait3A_211 : memref<128xi32, #tpu.memory_space<vmem>>)
      tpu.yield
    }) : () -> ()
    %dma_start3A = arith.constant 0 : i32
    %dma_start3A_14 = arith.constant 0 : i32
    %dma_start3A_15 = tpu.memref_slice %arg7[%dma_start3A, %dma_start3A_14] : memref<4x128xi32, #tpu.memory_space<vmem>> -> memref<1x128xi32, #tpu.memory_space<vmem>>
    %dma_start3A_16 = tpu.memref_squeeze %dma_start3A_15 : memref<1x128xi32, #tpu.memory_space<vmem>> -> memref<128xi32, #tpu.memory_space<vmem>>
    %dma_start3A_17 = arith.constant 0 : i32
    %dma_start3A_18 = arith.constant 0 : i32
    %dma_start3A_19 = tpu.memref_slice %arg3[%dma_start3A_17, %dma_start3A_18] : memref<100000x128xf32, #tpu.memory_space<hbm>> -> memref<100000x128xf32, #tpu.memory_space<hbm>>
    tpu.enqueue_indirect_dma source(%dma_start3A_19 : memref<100000x128xf32, #tpu.memory_space<hbm>>) target(%arg8 : memref<128x128xf32, #tpu.memory_space<vmem>>) offsets(%dma_start3A_16 : memref<128xi32, #tpu.memory_space<vmem>>) semaphore(%arg12 : memref<!tpu.dma_semaphore, #tpu.memory_space<semaphore_mem>>)
    %dma_start3A_20 = arith.constant 0 : i32
    %dma_start3A_21 = arith.constant 0 : i32
    %dma_start3A_22 = tpu.memref_slice %arg7[%dma_start3A_20, %dma_start3A_21] : memref<4x128xi32, #tpu.memory_space<vmem>> -> memref<1x128xi32, #tpu.memory_space<vmem>>
    %dma_start3A_23 = tpu.memref_squeeze %dma_start3A_22 : memref<1x128xi32, #tpu.memory_space<vmem>> -> memref<128xi32, #tpu.memory_space<vmem>>
    %dma_start3A_24 = arith.constant 0 : i32
    %dma_start3A_25 = arith.constant 0 : i32
    %dma_start3A_26 = tpu.memref_slice %arg4[%dma_start3A_24, %dma_start3A_25] : memref<100000x128xf32, #tpu.memory_space<hbm>> -> memref<100000x128xf32, #tpu.memory_space<hbm>>
    tpu.enqueue_indirect_dma source(%dma_start3A_26 : memref<100000x128xf32, #tpu.memory_space<hbm>>) target(%arg9 : memref<128x128xf32, #tpu.memory_space<vmem>>) offsets(%dma_start3A_23 : memref<128xi32, #tpu.memory_space<vmem>>) semaphore(%arg12 : memref<!tpu.dma_semaphore, #tpu.memory_space<semaphore_mem>>)
    %dma_start3A_27 = arith.constant 1 : i32
    %dma_start3A_28 = arith.constant 0 : i32
    %dma_start3A_29 = tpu.memref_slice %arg7[%dma_start3A_27, %dma_start3A_28] : memref<4x128xi32, #tpu.memory_space<vmem>> -> memref<1x128xi32, #tpu.memory_space<vmem>>
    %dma_start3A_30 = tpu.memref_squeeze %dma_start3A_29 : memref<1x128xi32, #tpu.memory_space<vmem>> -> memref<128xi32, #tpu.memory_space<vmem>>
    %dma_start3A_31 = arith.constant 0 : i32
    %dma_start3A_32 = arith.constant 0 : i32
    %dma_start3A_33 = tpu.memref_slice %arg3[%dma_start3A_31, %dma_start3A_32] : memref<100000x128xf32, #tpu.memory_space<hbm>> -> memref<100000x128xf32, #tpu.memory_space<hbm>>
    tpu.enqueue_indirect_dma source(%dma_start3A_33 : memref<100000x128xf32, #tpu.memory_space<hbm>>) target(%arg10 : memref<128x128xf32, #tpu.memory_space<vmem>>) offsets(%dma_start3A_30 : memref<128xi32, #tpu.memory_space<vmem>>) semaphore(%arg13 : memref<!tpu.dma_semaphore, #tpu.memory_space<semaphore_mem>>)
    %dma_start3A_34 = arith.constant 1 : i32
    %dma_start3A_35 = arith.constant 0 : i32
    %dma_start3A_36 = tpu.memref_slice %arg7[%dma_start3A_34, %dma_start3A_35] : memref<4x128xi32, #tpu.memory_space<vmem>> -> memref<1x128xi32, #tpu.memory_space<vmem>>
    %dma_start3A_37 = tpu.memref_squeeze %dma_start3A_36 : memref<1x128xi32, #tpu.memory_space<vmem>> -> memref<128xi32, #tpu.memory_space<vmem>>
    %dma_start3A_38 = arith.constant 0 : i32
    %dma_start3A_39 = arith.constant 0 : i32
    %dma_start3A_40 = tpu.memref_slice %arg4[%dma_start3A_38, %dma_start3A_39] : memref<100000x128xf32, #tpu.memory_space<hbm>> -> memref<100000x128xf32, #tpu.memory_space<hbm>>
    tpu.enqueue_indirect_dma source(%dma_start3A_40 : memref<100000x128xf32, #tpu.memory_space<hbm>>) target(%arg11 : memref<128x128xf32, #tpu.memory_space<vmem>>) offsets(%dma_start3A_37 : memref<128xi32, #tpu.memory_space<vmem>>) semaphore(%arg13 : memref<!tpu.dma_semaphore, #tpu.memory_space<semaphore_mem>>)
    %dma_wait3A = arith.constant 0 : i32
    %dma_wait3A_41 = arith.constant 0 : i32
    %dma_wait3A_42 = tpu.memref_slice %arg7[%dma_wait3A, %dma_wait3A_41] : memref<4x128xi32, #tpu.memory_space<vmem>> -> memref<1x128xi32, #tpu.memory_space<vmem>>
    %dma_wait3A_43 = tpu.memref_squeeze %dma_wait3A_42 : memref<1x128xi32, #tpu.memory_space<vmem>> -> memref<128xi32, #tpu.memory_space<vmem>>
    %dma_wait3A_44 = arith.constant 0 : i32
    %dma_wait3A_45 = arith.constant 0 : i32
    %dma_wait3A_46 = tpu.memref_slice %arg3[%dma_wait3A_44, %dma_wait3A_45] : memref<100000x128xf32, #tpu.memory_space<hbm>> -> memref<100000x128xf32, #tpu.memory_space<hbm>>
    tpu.wait_indirect_dma semaphore(%arg12 : memref<!tpu.dma_semaphore, #tpu.memory_space<semaphore_mem>>) src(%dma_wait3A_46 : memref<100000x128xf32, #tpu.memory_space<hbm>>) dst(%arg8 : memref<128x128xf32, #tpu.memory_space<vmem>>)
    %dma_wait3A_47 = arith.constant 0 : i32
    %dma_wait3A_48 = arith.constant 0 : i32
    %dma_wait3A_49 = tpu.memref_slice %arg7[%dma_wait3A_47, %dma_wait3A_48] : memref<4x128xi32, #tpu.memory_space<vmem>> -> memref<1x128xi32, #tpu.memory_space<vmem>>
    %dma_wait3A_50 = tpu.memref_squeeze %dma_wait3A_49 : memref<1x128xi32, #tpu.memory_space<vmem>> -> memref<128xi32, #tpu.memory_space<vmem>>
    %dma_wait3A_51 = arith.constant 0 : i32
    %dma_wait3A_52 = arith.constant 0 : i32
    %dma_wait3A_53 = tpu.memref_slice %arg4[%dma_wait3A_51, %dma_wait3A_52] : memref<100000x128xf32, #tpu.memory_space<hbm>> -> memref<100000x128xf32, #tpu.memory_space<hbm>>
    tpu.wait_indirect_dma semaphore(%arg12 : memref<!tpu.dma_semaphore, #tpu.memory_space<semaphore_mem>>) src(%dma_wait3A_53 : memref<100000x128xf32, #tpu.memory_space<hbm>>) dst(%arg9 : memref<128x128xf32, #tpu.memory_space<vmem>>)
    %add3A_54 = arith.constant 0 : i32
    %add3A_55 = arith.addi %mul3A_2, %add3A_54 : i32
    %dma_start3A_56 = arith.constant 0 : i32
    %dma_start3A_57 = tpu.memref_slice %arg5[%add3A_55, %dma_start3A_56] : memref<16384x128xf32, #tpu.memory_space<hbm>> -> memref<128x128xf32, #tpu.memory_space<hbm>>
    %dma_start3A_58 = arith.constant 0 : i32
    %dma_start3A_59 = tpu.memref_slice %arg5[%add3A_55, %dma_start3A_58] : memref<16384x128xf32, #tpu.memory_space<hbm>> -> memref<128x128xf32, #tpu.memory_space<hbm>>
    tpu.enqueue_dma source(%arg8 : memref<128x128xf32, #tpu.memory_space<vmem>>) target(%dma_start3A_59 : memref<128x128xf32, #tpu.memory_space<hbm>>) target_semaphore(%arg14 : memref<!tpu.dma_semaphore, #tpu.memory_space<semaphore_mem>>)
    %dma_start3A_60 = arith.constant 0 : i32
    %dma_start3A_61 = tpu.memref_slice %arg6[%add3A_55, %dma_start3A_60] : memref<16384x128xf32, #tpu.memory_space<hbm>> -> memref<128x128xf32, #tpu.memory_space<hbm>>
    %dma_start3A_62 = arith.constant 0 : i32
    %dma_start3A_63 = tpu.memref_slice %arg6[%add3A_55, %dma_start3A_62] : memref<16384x128xf32, #tpu.memory_space<hbm>> -> memref<128x128xf32, #tpu.memory_space<hbm>>
    tpu.enqueue_dma source(%arg9 : memref<128x128xf32, #tpu.memory_space<vmem>>) target(%dma_start3A_63 : memref<128x128xf32, #tpu.memory_space<hbm>>) target_semaphore(%arg14 : memref<!tpu.dma_semaphore, #tpu.memory_space<semaphore_mem>>)
    %dma_wait3A_64 = arith.constant 1 : i32
    %dma_wait3A_65 = arith.constant 0 : i32
    %dma_wait3A_66 = tpu.memref_slice %arg7[%dma_wait3A_64, %dma_wait3A_65] : memref<4x128xi32, #tpu.memory_space<vmem>> -> memref<1x128xi32, #tpu.memory_space<vmem>>
    %dma_wait3A_67 = tpu.memref_squeeze %dma_wait3A_66 : memref<1x128xi32, #tpu.memory_space<vmem>> -> memref<128xi32, #tpu.memory_space<vmem>>
    %dma_wait3A_68 = arith.constant 0 : i32
    %dma_wait3A_69 = arith.constant 0 : i32
    %dma_wait3A_70 = tpu.memref_slice %arg3[%dma_wait3A_68, %dma_wait3A_69] : memref<100000x128xf32, #tpu.memory_space<hbm>> -> memref<100000x128xf32, #tpu.memory_space<hbm>>
    tpu.wait_indirect_dma semaphore(%arg13 : memref<!tpu.dma_semaphore, #tpu.memory_space<semaphore_mem>>) src(%dma_wait3A_70 : memref<100000x128xf32, #tpu.memory_space<hbm>>) dst(%arg10 : memref<128x128xf32, #tpu.memory_space<vmem>>)
    %dma_wait3A_71 = arith.constant 1 : i32
    %dma_wait3A_72 = arith.constant 0 : i32
    %dma_wait3A_73 = tpu.memref_slice %arg7[%dma_wait3A_71, %dma_wait3A_72] : memref<4x128xi32, #tpu.memory_space<vmem>> -> memref<1x128xi32, #tpu.memory_space<vmem>>
    %dma_wait3A_74 = tpu.memref_squeeze %dma_wait3A_73 : memref<1x128xi32, #tpu.memory_space<vmem>> -> memref<128xi32, #tpu.memory_space<vmem>>
    %dma_wait3A_75 = arith.constant 0 : i32
    %dma_wait3A_76 = arith.constant 0 : i32
    %dma_wait3A_77 = tpu.memref_slice %arg4[%dma_wait3A_75, %dma_wait3A_76] : memref<100000x128xf32, #tpu.memory_space<hbm>> -> memref<100000x128xf32, #tpu.memory_space<hbm>>
    tpu.wait_indirect_dma semaphore(%arg13 : memref<!tpu.dma_semaphore, #tpu.memory_space<semaphore_mem>>) src(%dma_wait3A_77 : memref<100000x128xf32, #tpu.memory_space<hbm>>) dst(%arg11 : memref<128x128xf32, #tpu.memory_space<vmem>>)
    %add3A_78 = arith.constant 128 : i32
    %add3A_79 = arith.addi %mul3A_2, %add3A_78 : i32
    %dma_start3A_80 = arith.constant 0 : i32
    %dma_start3A_81 = tpu.memref_slice %arg5[%add3A_79, %dma_start3A_80] : memref<16384x128xf32, #tpu.memory_space<hbm>> -> memref<128x128xf32, #tpu.memory_space<hbm>>
    %dma_start3A_82 = arith.constant 0 : i32
    %dma_start3A_83 = tpu.memref_slice %arg5[%add3A_79, %dma_start3A_82] : memref<16384x128xf32, #tpu.memory_space<hbm>> -> memref<128x128xf32, #tpu.memory_space<hbm>>
    tpu.enqueue_dma source(%arg10 : memref<128x128xf32, #tpu.memory_space<vmem>>) target(%dma_start3A_83 : memref<128x128xf32, #tpu.memory_space<hbm>>) target_semaphore(%arg15 : memref<!tpu.dma_semaphore, #tpu.memory_space<semaphore_mem>>)
    %dma_start3A_84 = arith.constant 0 : i32
    %dma_start3A_85 = tpu.memref_slice %arg6[%add3A_79, %dma_start3A_84] : memref<16384x128xf32, #tpu.memory_space<hbm>> -> memref<128x128xf32, #tpu.memory_space<hbm>>
    %dma_start3A_86 = arith.constant 0 : i32
    %dma_start3A_87 = tpu.memref_slice %arg6[%add3A_79, %dma_start3A_86] : memref<16384x128xf32, #tpu.memory_space<hbm>> -> memref<128x128xf32, #tpu.memory_space<hbm>>
    tpu.enqueue_dma source(%arg11 : memref<128x128xf32, #tpu.memory_space<vmem>>) target(%dma_start3A_87 : memref<128x128xf32, #tpu.memory_space<hbm>>) target_semaphore(%arg15 : memref<!tpu.dma_semaphore, #tpu.memory_space<semaphore_mem>>)
    %dma_wait3A_88 = arith.constant 0 : i32
    %dma_wait3A_89 = tpu.memref_slice %arg5[%add3A_55, %dma_wait3A_88] : memref<16384x128xf32, #tpu.memory_space<hbm>> -> memref<128x128xf32, #tpu.memory_space<hbm>>
    %dma_wait3A_90 = arith.constant 0 : i32
    %dma_wait3A_91 = tpu.memref_slice %arg5[%add3A_55, %dma_wait3A_90] : memref<16384x128xf32, #tpu.memory_space<hbm>> -> memref<128x128xf32, #tpu.memory_space<hbm>>
    tpu.wait_dma2 semaphore(%arg14 : memref<!tpu.dma_semaphore, #tpu.memory_space<semaphore_mem>>) src(%arg8 : memref<128x128xf32, #tpu.memory_space<vmem>>) dst(%dma_wait3A_91 : memref<128x128xf32, #tpu.memory_space<hbm>>)
    %dma_wait3A_92 = arith.constant 0 : i32
    %dma_wait3A_93 = tpu.memref_slice %arg6[%add3A_55, %dma_wait3A_92] : memref<16384x128xf32, #tpu.memory_space<hbm>> -> memref<128x128xf32, #tpu.memory_space<hbm>>
    %dma_wait3A_94 = arith.constant 0 : i32
    %dma_wait3A_95 = tpu.memref_slice %arg6[%add3A_55, %dma_wait3A_94] : memref<16384x128xf32, #tpu.memory_space<hbm>> -> memref<128x128xf32, #tpu.memory_space<hbm>>
    tpu.wait_dma2 semaphore(%arg14 : memref<!tpu.dma_semaphore, #tpu.memory_space<semaphore_mem>>) src(%arg9 : memref<128x128xf32, #tpu.memory_space<vmem>>) dst(%dma_wait3A_95 : memref<128x128xf32, #tpu.memory_space<hbm>>)
    %dma_start3A_96 = arith.constant 2 : i32
    %dma_start3A_97 = arith.constant 0 : i32
    %dma_start3A_98 = tpu.memref_slice %arg7[%dma_start3A_96, %dma_start3A_97] : memref<4x128xi32, #tpu.memory_space<vmem>> -> memref<1x128xi32, #tpu.memory_space<vmem>>
    %dma_start3A_99 = tpu.memref_squeeze %dma_start3A_98 : memref<1x128xi32, #tpu.memory_space<vmem>> -> memref<128xi32, #tpu.memory_space<vmem>>
    %dma_start3A_100 = arith.constant 0 : i32
    %dma_start3A_101 = arith.constant 0 : i32
    %dma_start3A_102 = tpu.memref_slice %arg3[%dma_start3A_100, %dma_start3A_101] : memref<100000x128xf32, #tpu.memory_space<hbm>> -> memref<100000x128xf32, #tpu.memory_space<hbm>>
    tpu.enqueue_indirect_dma source(%dma_start3A_102 : memref<100000x128xf32, #tpu.memory_space<hbm>>) target(%arg8 : memref<128x128xf32, #tpu.memory_space<vmem>>) offsets(%dma_start3A_99 : memref<128xi32, #tpu.memory_space<vmem>>) semaphore(%arg12 : memref<!tpu.dma_semaphore, #tpu.memory_space<semaphore_mem>>)
    %dma_start3A_103 = arith.constant 2 : i32
    %dma_start3A_104 = arith.constant 0 : i32
    %dma_start3A_105 = tpu.memref_slice %arg7[%dma_start3A_103, %dma_start3A_104] : memref<4x128xi32, #tpu.memory_space<vmem>> -> memref<1x128xi32, #tpu.memory_space<vmem>>
    %dma_start3A_106 = tpu.memref_squeeze %dma_start3A_105 : memref<1x128xi32, #tpu.memory_space<vmem>> -> memref<128xi32, #tpu.memory_space<vmem>>
    %dma_start3A_107 = arith.constant 0 : i32
    %dma_start3A_108 = arith.constant 0 : i32
    %dma_start3A_109 = tpu.memref_slice %arg4[%dma_start3A_107, %dma_start3A_108] : memref<100000x128xf32, #tpu.memory_space<hbm>> -> memref<100000x128xf32, #tpu.memory_space<hbm>>
    tpu.enqueue_indirect_dma source(%dma_start3A_109 : memref<100000x128xf32, #tpu.memory_space<hbm>>) target(%arg9 : memref<128x128xf32, #tpu.memory_space<vmem>>) offsets(%dma_start3A_106 : memref<128xi32, #tpu.memory_space<vmem>>) semaphore(%arg12 : memref<!tpu.dma_semaphore, #tpu.memory_space<semaphore_mem>>)
    %dma_wait3A_110 = arith.constant 2 : i32
    %dma_wait3A_111 = arith.constant 0 : i32
    %dma_wait3A_112 = tpu.memref_slice %arg7[%dma_wait3A_110, %dma_wait3A_111] : memref<4x128xi32, #tpu.memory_space<vmem>> -> memref<1x128xi32, #tpu.memory_space<vmem>>
    %dma_wait3A_113 = tpu.memref_squeeze %dma_wait3A_112 : memref<1x128xi32, #tpu.memory_space<vmem>> -> memref<128xi32, #tpu.memory_space<vmem>>
    %dma_wait3A_114 = arith.constant 0 : i32
    %dma_wait3A_115 = arith.constant 0 : i32
    %dma_wait3A_116 = tpu.memref_slice %arg3[%dma_wait3A_114, %dma_wait3A_115] : memref<100000x128xf32, #tpu.memory_space<hbm>> -> memref<100000x128xf32, #tpu.memory_space<hbm>>
    tpu.wait_indirect_dma semaphore(%arg12 : memref<!tpu.dma_semaphore, #tpu.memory_space<semaphore_mem>>) src(%dma_wait3A_116 : memref<100000x128xf32, #tpu.memory_space<hbm>>) dst(%arg8 : memref<128x128xf32, #tpu.memory_space<vmem>>)
    %dma_wait3A_117 = arith.constant 2 : i32
    %dma_wait3A_118 = arith.constant 0 : i32
    %dma_wait3A_119 = tpu.memref_slice %arg7[%dma_wait3A_117, %dma_wait3A_118] : memref<4x128xi32, #tpu.memory_space<vmem>> -> memref<1x128xi32, #tpu.memory_space<vmem>>
    %dma_wait3A_120 = tpu.memref_squeeze %dma_wait3A_119 : memref<1x128xi32, #tpu.memory_space<vmem>> -> memref<128xi32, #tpu.memory_space<vmem>>
    %dma_wait3A_121 = arith.constant 0 : i32
    %dma_wait3A_122 = arith.constant 0 : i32
    %dma_wait3A_123 = tpu.memref_slice %arg4[%dma_wait3A_121, %dma_wait3A_122] : memref<100000x128xf32, #tpu.memory_space<hbm>> -> memref<100000x128xf32, #tpu.memory_space<hbm>>
    tpu.wait_indirect_dma semaphore(%arg12 : memref<!tpu.dma_semaphore, #tpu.memory_space<semaphore_mem>>) src(%dma_wait3A_123 : memref<100000x128xf32, #tpu.memory_space<hbm>>) dst(%arg9 : memref<128x128xf32, #tpu.memory_space<vmem>>)
    %add3A_124 = arith.constant 256 : i32
    %add3A_125 = arith.addi %mul3A_2, %add3A_124 : i32
    %dma_start3A_126 = arith.constant 0 : i32
    %dma_start3A_127 = tpu.memref_slice %arg5[%add3A_125, %dma_start3A_126] : memref<16384x128xf32, #tpu.memory_space<hbm>> -> memref<128x128xf32, #tpu.memory_space<hbm>>
    %dma_start3A_128 = arith.constant 0 : i32
    %dma_start3A_129 = tpu.memref_slice %arg5[%add3A_125, %dma_start3A_128] : memref<16384x128xf32, #tpu.memory_space<hbm>> -> memref<128x128xf32, #tpu.memory_space<hbm>>
    tpu.enqueue_dma source(%arg8 : memref<128x128xf32, #tpu.memory_space<vmem>>) target(%dma_start3A_129 : memref<128x128xf32, #tpu.memory_space<hbm>>) target_semaphore(%arg14 : memref<!tpu.dma_semaphore, #tpu.memory_space<semaphore_mem>>)
    %dma_start3A_130 = arith.constant 0 : i32
    %dma_start3A_131 = tpu.memref_slice %arg6[%add3A_125, %dma_start3A_130] : memref<16384x128xf32, #tpu.memory_space<hbm>> -> memref<128x128xf32, #tpu.memory_space<hbm>>
    %dma_start3A_132 = arith.constant 0 : i32
    %dma_start3A_133 = tpu.memref_slice %arg6[%add3A_125, %dma_start3A_132] : memref<16384x128xf32, #tpu.memory_space<hbm>> -> memref<128x128xf32, #tpu.memory_space<hbm>>
    tpu.enqueue_dma source(%arg9 : memref<128x128xf32, #tpu.memory_space<vmem>>) target(%dma_start3A_133 : memref<128x128xf32, #tpu.memory_space<hbm>>) target_semaphore(%arg14 : memref<!tpu.dma_semaphore, #tpu.memory_space<semaphore_mem>>)
    %dma_wait3A_134 = arith.constant 0 : i32
    %dma_wait3A_135 = tpu.memref_slice %arg5[%add3A_79, %dma_wait3A_134] : memref<16384x128xf32, #tpu.memory_space<hbm>> -> memref<128x128xf32, #tpu.memory_space<hbm>>
    %dma_wait3A_136 = arith.constant 0 : i32
    %dma_wait3A_137 = tpu.memref_slice %arg5[%add3A_79, %dma_wait3A_136] : memref<16384x128xf32, #tpu.memory_space<hbm>> -> memref<128x128xf32, #tpu.memory_space<hbm>>
    tpu.wait_dma2 semaphore(%arg15 : memref<!tpu.dma_semaphore, #tpu.memory_space<semaphore_mem>>) src(%arg10 : memref<128x128xf32, #tpu.memory_space<vmem>>) dst(%dma_wait3A_137 : memref<128x128xf32, #tpu.memory_space<hbm>>)
    %dma_wait3A_138 = arith.constant 0 : i32
    %dma_wait3A_139 = tpu.memref_slice %arg6[%add3A_79, %dma_wait3A_138] : memref<16384x128xf32, #tpu.memory_space<hbm>> -> memref<128x128xf32, #tpu.memory_space<hbm>>
    %dma_wait3A_140 = arith.constant 0 : i32
    %dma_wait3A_141 = tpu.memref_slice %arg6[%add3A_79, %dma_wait3A_140] : memref<16384x128xf32, #tpu.memory_space<hbm>> -> memref<128x128xf32, #tpu.memory_space<hbm>>
    tpu.wait_dma2 semaphore(%arg15 : memref<!tpu.dma_semaphore, #tpu.memory_space<semaphore_mem>>) src(%arg11 : memref<128x128xf32, #tpu.memory_space<vmem>>) dst(%dma_wait3A_141 : memref<128x128xf32, #tpu.memory_space<hbm>>)
    %dma_start3A_142 = arith.constant 3 : i32
    %dma_start3A_143 = arith.constant 0 : i32
    %dma_start3A_144 = tpu.memref_slice %arg7[%dma_start3A_142, %dma_start3A_143] : memref<4x128xi32, #tpu.memory_space<vmem>> -> memref<1x128xi32, #tpu.memory_space<vmem>>
    %dma_start3A_145 = tpu.memref_squeeze %dma_start3A_144 : memref<1x128xi32, #tpu.memory_space<vmem>> -> memref<128xi32, #tpu.memory_space<vmem>>
    %dma_start3A_146 = arith.constant 0 : i32
    %dma_start3A_147 = arith.constant 0 : i32
    %dma_start3A_148 = tpu.memref_slice %arg3[%dma_start3A_146, %dma_start3A_147] : memref<100000x128xf32, #tpu.memory_space<hbm>> -> memref<100000x128xf32, #tpu.memory_space<hbm>>
    tpu.enqueue_indirect_dma source(%dma_start3A_148 : memref<100000x128xf32, #tpu.memory_space<hbm>>) target(%arg10 : memref<128x128xf32, #tpu.memory_space<vmem>>) offsets(%dma_start3A_145 : memref<128xi32, #tpu.memory_space<vmem>>) semaphore(%arg13 : memref<!tpu.dma_semaphore, #tpu.memory_space<semaphore_mem>>)
    %dma_start3A_149 = arith.constant 3 : i32
    %dma_start3A_150 = arith.constant 0 : i32
    %dma_start3A_151 = tpu.memref_slice %arg7[%dma_start3A_149, %dma_start3A_150] : memref<4x128xi32, #tpu.memory_space<vmem>> -> memref<1x128xi32, #tpu.memory_space<vmem>>
    %dma_start3A_152 = tpu.memref_squeeze %dma_start3A_151 : memref<1x128xi32, #tpu.memory_space<vmem>> -> memref<128xi32, #tpu.memory_space<vmem>>
    %dma_start3A_153 = arith.constant 0 : i32
    %dma_start3A_154 = arith.constant 0 : i32
    %dma_start3A_155 = tpu.memref_slice %arg4[%dma_start3A_153, %dma_start3A_154] : memref<100000x128xf32, #tpu.memory_space<hbm>> -> memref<100000x128xf32, #tpu.memory_space<hbm>>
    tpu.enqueue_indirect_dma source(%dma_start3A_155 : memref<100000x128xf32, #tpu.memory_space<hbm>>) target(%arg11 : memref<128x128xf32, #tpu.memory_space<vmem>>) offsets(%dma_start3A_152 : memref<128xi32, #tpu.memory_space<vmem>>) semaphore(%arg13 : memref<!tpu.dma_semaphore, #tpu.memory_space<semaphore_mem>>)
    %dma_wait3A_156 = arith.constant 3 : i32
    %dma_wait3A_157 = arith.constant 0 : i32
    %dma_wait3A_158 = tpu.memref_slice %arg7[%dma_wait3A_156, %dma_wait3A_157] : memref<4x128xi32, #tpu.memory_space<vmem>> -> memref<1x128xi32, #tpu.memory_space<vmem>>
    %dma_wait3A_159 = tpu.memref_squeeze %dma_wait3A_158 : memref<1x128xi32, #tpu.memory_space<vmem>> -> memref<128xi32, #tpu.memory_space<vmem>>
    %dma_wait3A_160 = arith.constant 0 : i32
    %dma_wait3A_161 = arith.constant 0 : i32
    %dma_wait3A_162 = tpu.memref_slice %arg3[%dma_wait3A_160, %dma_wait3A_161] : memref<100000x128xf32, #tpu.memory_space<hbm>> -> memref<100000x128xf32, #tpu.memory_space<hbm>>
    tpu.wait_indirect_dma semaphore(%arg13 : memref<!tpu.dma_semaphore, #tpu.memory_space<semaphore_mem>>) src(%dma_wait3A_162 : memref<100000x128xf32, #tpu.memory_space<hbm>>) dst(%arg10 : memref<128x128xf32, #tpu.memory_space<vmem>>)
    %dma_wait3A_163 = arith.constant 3 : i32
    %dma_wait3A_164 = arith.constant 0 : i32
    %dma_wait3A_165 = tpu.memref_slice %arg7[%dma_wait3A_163, %dma_wait3A_164] : memref<4x128xi32, #tpu.memory_space<vmem>> -> memref<1x128xi32, #tpu.memory_space<vmem>>
    %dma_wait3A_166 = tpu.memref_squeeze %dma_wait3A_165 : memref<1x128xi32, #tpu.memory_space<vmem>> -> memref<128xi32, #tpu.memory_space<vmem>>
    %dma_wait3A_167 = arith.constant 0 : i32
    %dma_wait3A_168 = arith.constant 0 : i32
    %dma_wait3A_169 = tpu.memref_slice %arg4[%dma_wait3A_167, %dma_wait3A_168] : memref<100000x128xf32, #tpu.memory_space<hbm>> -> memref<100000x128xf32, #tpu.memory_space<hbm>>
    tpu.wait_indirect_dma semaphore(%arg13 : memref<!tpu.dma_semaphore, #tpu.memory_space<semaphore_mem>>) src(%dma_wait3A_169 : memref<100000x128xf32, #tpu.memory_space<hbm>>) dst(%arg11 : memref<128x128xf32, #tpu.memory_space<vmem>>)
    %add3A_170 = arith.constant 384 : i32
    %add3A_171 = arith.addi %mul3A_2, %add3A_170 : i32
    %dma_start3A_172 = arith.constant 0 : i32
    %dma_start3A_173 = tpu.memref_slice %arg5[%add3A_171, %dma_start3A_172] : memref<16384x128xf32, #tpu.memory_space<hbm>> -> memref<128x128xf32, #tpu.memory_space<hbm>>
    %dma_start3A_174 = arith.constant 0 : i32
    %dma_start3A_175 = tpu.memref_slice %arg5[%add3A_171, %dma_start3A_174] : memref<16384x128xf32, #tpu.memory_space<hbm>> -> memref<128x128xf32, #tpu.memory_space<hbm>>
    tpu.enqueue_dma source(%arg10 : memref<128x128xf32, #tpu.memory_space<vmem>>) target(%dma_start3A_175 : memref<128x128xf32, #tpu.memory_space<hbm>>) target_semaphore(%arg15 : memref<!tpu.dma_semaphore, #tpu.memory_space<semaphore_mem>>)
    %dma_start3A_176 = arith.constant 0 : i32
    %dma_start3A_177 = tpu.memref_slice %arg6[%add3A_171, %dma_start3A_176] : memref<16384x128xf32, #tpu.memory_space<hbm>> -> memref<128x128xf32, #tpu.memory_space<hbm>>
    %dma_start3A_178 = arith.constant 0 : i32
    %dma_start3A_179 = tpu.memref_slice %arg6[%add3A_171, %dma_start3A_178] : memref<16384x128xf32, #tpu.memory_space<hbm>> -> memref<128x128xf32, #tpu.memory_space<hbm>>
    tpu.enqueue_dma source(%arg11 : memref<128x128xf32, #tpu.memory_space<vmem>>) target(%dma_start3A_179 : memref<128x128xf32, #tpu.memory_space<hbm>>) target_semaphore(%arg15 : memref<!tpu.dma_semaphore, #tpu.memory_space<semaphore_mem>>)
    %dma_wait3A_180 = arith.constant 0 : i32
    %dma_wait3A_181 = tpu.memref_slice %arg5[%add3A_125, %dma_wait3A_180] : memref<16384x128xf32, #tpu.memory_space<hbm>> -> memref<128x128xf32, #tpu.memory_space<hbm>>
    %dma_wait3A_182 = arith.constant 0 : i32
    %dma_wait3A_183 = tpu.memref_slice %arg5[%add3A_125, %dma_wait3A_182] : memref<16384x128xf32, #tpu.memory_space<hbm>> -> memref<128x128xf32, #tpu.memory_space<hbm>>
    tpu.wait_dma2 semaphore(%arg14 : memref<!tpu.dma_semaphore, #tpu.memory_space<semaphore_mem>>) src(%arg8 : memref<128x128xf32, #tpu.memory_space<vmem>>) dst(%dma_wait3A_183 : memref<128x128xf32, #tpu.memory_space<hbm>>)
    %dma_wait3A_184 = arith.constant 0 : i32
    %dma_wait3A_185 = tpu.memref_slice %arg6[%add3A_125, %dma_wait3A_184] : memref<16384x128xf32, #tpu.memory_space<hbm>> -> memref<128x128xf32, #tpu.memory_space<hbm>>
    %dma_wait3A_186 = arith.constant 0 : i32
    %dma_wait3A_187 = tpu.memref_slice %arg6[%add3A_125, %dma_wait3A_186] : memref<16384x128xf32, #tpu.memory_space<hbm>> -> memref<128x128xf32, #tpu.memory_space<hbm>>
    tpu.wait_dma2 semaphore(%arg14 : memref<!tpu.dma_semaphore, #tpu.memory_space<semaphore_mem>>) src(%arg9 : memref<128x128xf32, #tpu.memory_space<vmem>>) dst(%dma_wait3A_187 : memref<128x128xf32, #tpu.memory_space<hbm>>)
    %dma_wait3A_188 = arith.constant 0 : i32
    %dma_wait3A_189 = tpu.memref_slice %arg5[%add3A_171, %dma_wait3A_188] : memref<16384x128xf32, #tpu.memory_space<hbm>> -> memref<128x128xf32, #tpu.memory_space<hbm>>
    %dma_wait3A_190 = arith.constant 0 : i32
    %dma_wait3A_191 = tpu.memref_slice %arg5[%add3A_171, %dma_wait3A_190] : memref<16384x128xf32, #tpu.memory_space<hbm>> -> memref<128x128xf32, #tpu.memory_space<hbm>>
    tpu.wait_dma2 semaphore(%arg15 : memref<!tpu.dma_semaphore, #tpu.memory_space<semaphore_mem>>) src(%arg10 : memref<128x128xf32, #tpu.memory_space<vmem>>) dst(%dma_wait3A_191 : memref<128x128xf32, #tpu.memory_space<hbm>>)
    %dma_wait3A_192 = arith.constant 0 : i32
    %dma_wait3A_193 = tpu.memref_slice %arg6[%add3A_171, %dma_wait3A_192] : memref<16384x128xf32, #tpu.memory_space<hbm>> -> memref<128x128xf32, #tpu.memory_space<hbm>>
    %dma_wait3A_194 = arith.constant 0 : i32
    %dma_wait3A_195 = tpu.memref_slice %arg6[%add3A_171, %dma_wait3A_194] : memref<16384x128xf32, #tpu.memory_space<hbm>> -> memref<128x128xf32, #tpu.memory_space<hbm>>
    tpu.wait_dma2 semaphore(%arg15 : memref<!tpu.dma_semaphore, #tpu.memory_space<semaphore_mem>>) src(%arg11 : memref<128x128xf32, #tpu.memory_space<vmem>>) dst(%dma_wait3A_195 : memref<128x128xf32, #tpu.memory_space<hbm>>)
    return
  }
}

#map = affine_map<(d0, d1) -> (0)>
#map1 = affine_map<(d0, d1) -> (0, 0)>
module attributes {stable_mosaic.version = 14 : i64} {
  func.func @gather_k(%arg0: i32, %arg1: i32, %arg2: memref<16384xi32, #tpu.memory_space<hbm>>, %arg3: memref<100000x128xf32, #tpu.memory_space<hbm>>, %arg4: memref<16384x128xf32, #tpu.memory_space<hbm>>, %arg5: memref<4x128xi32, #tpu.memory_space<vmem>>, %arg6: memref<128x128xf32, #tpu.memory_space<vmem>>, %arg7: memref<128x128xf32, #tpu.memory_space<vmem>>, %arg8: memref<!tpu.dma_semaphore, #tpu.memory_space<semaphore_mem>>, %arg9: memref<!tpu.dma_semaphore, #tpu.memory_space<semaphore_mem>>, %arg10: memref<!tpu.dma_semaphore, #tpu.memory_space<semaphore_mem>>, %arg11: memref<!tpu.dma_semaphore, #tpu.memory_space<semaphore_mem>>) attributes {dimension_semantics = [#tpu.dimension_semantics<core_parallel>, #tpu.dimension_semantics<subcore_parallel>], iteration_bounds = array<i64: 2, 16>, scalar_prefetch = 0 : i64, scratch_operands = 7 : i64, tpu.core_type = #tpu.core_type<sc_vector_subcore>, window_params = [{transform_indices = #map}, {transform_indices = #map1}, {transform_indices = #map1}]} {
    %mul3A = arith.constant 2 : i32
    %mul3A_0 = arith.muli %arg1, %mul3A : i32
    %add3A = arith.addi %mul3A_0, %arg0 : i32
    %mul3A_1 = arith.constant 512 : i32
    %mul3A_2 = arith.muli %add3A, %mul3A_1 : i32
    %add3A_3 = arith.constant 0 : i32
    %add3A_4 = arith.addi %mul3A_2, %add3A_3 : i32
    %run_scoped3A = arith.constant 0 : i32
    "tpu.region"() ({
      %run_scoped3A_108 = tpu.sem_alloc : memref<!tpu.dma_semaphore, #tpu.memory_space<semaphore_mem>>
      %dma_start3A_109 = arith.constant 0 : i32
      %dma_start3A_110 = tpu.memref_slice %arg5[%run_scoped3A, %dma_start3A_109] : memref<4x128xi32, #tpu.memory_space<vmem>> -> memref<1x128xi32, #tpu.memory_space<vmem>>
      %dma_start3A_111 = tpu.memref_squeeze %dma_start3A_110 : memref<1x128xi32, #tpu.memory_space<vmem>> -> memref<128xi32, #tpu.memory_space<vmem>>
      %dma_start3A_112 = tpu.memref_slice %arg2[%add3A_4] : memref<16384xi32, #tpu.memory_space<hbm>> -> memref<128xi32, #tpu.memory_space<hbm>>
      %dma_start3A_113 = arith.constant 0 : i32
      %dma_start3A_114 = tpu.memref_slice %arg5[%run_scoped3A, %dma_start3A_113] : memref<4x128xi32, #tpu.memory_space<vmem>> -> memref<1x128xi32, #tpu.memory_space<vmem>>
      %dma_start3A_115 = tpu.memref_squeeze %dma_start3A_114 : memref<1x128xi32, #tpu.memory_space<vmem>> -> memref<128xi32, #tpu.memory_space<vmem>>
      %dma_start3A_116 = tpu.memref_slice %arg2[%add3A_4] : memref<16384xi32, #tpu.memory_space<hbm>> -> memref<128xi32, #tpu.memory_space<hbm>>
      tpu.enqueue_dma source(%dma_start3A_116 : memref<128xi32, #tpu.memory_space<hbm>>) target(%dma_start3A_115 : memref<128xi32, #tpu.memory_space<vmem>>) target_semaphore(%run_scoped3A_108 : memref<!tpu.dma_semaphore, #tpu.memory_space<semaphore_mem>>)
      %dma_wait3A_117 = arith.constant 0 : i32
      %dma_wait3A_118 = tpu.memref_slice %arg5[%run_scoped3A, %dma_wait3A_117] : memref<4x128xi32, #tpu.memory_space<vmem>> -> memref<1x128xi32, #tpu.memory_space<vmem>>
      %dma_wait3A_119 = tpu.memref_squeeze %dma_wait3A_118 : memref<1x128xi32, #tpu.memory_space<vmem>> -> memref<128xi32, #tpu.memory_space<vmem>>
      %dma_wait3A_120 = tpu.memref_slice %arg2[%add3A_4] : memref<16384xi32, #tpu.memory_space<hbm>> -> memref<128xi32, #tpu.memory_space<hbm>>
      %dma_wait3A_121 = arith.constant 0 : i32
      %dma_wait3A_122 = tpu.memref_slice %arg5[%run_scoped3A, %dma_wait3A_121] : memref<4x128xi32, #tpu.memory_space<vmem>> -> memref<1x128xi32, #tpu.memory_space<vmem>>
      %dma_wait3A_123 = tpu.memref_squeeze %dma_wait3A_122 : memref<1x128xi32, #tpu.memory_space<vmem>> -> memref<128xi32, #tpu.memory_space<vmem>>
      %dma_wait3A_124 = tpu.memref_slice %arg2[%add3A_4] : memref<16384xi32, #tpu.memory_space<hbm>> -> memref<128xi32, #tpu.memory_space<hbm>>
      tpu.wait_dma2 semaphore(%run_scoped3A_108 : memref<!tpu.dma_semaphore, #tpu.memory_space<semaphore_mem>>) src(%dma_wait3A_124 : memref<128xi32, #tpu.memory_space<hbm>>) dst(%dma_wait3A_123 : memref<128xi32, #tpu.memory_space<vmem>>)
      tpu.yield
    }) : () -> ()
    %add3A_5 = arith.constant 128 : i32
    %add3A_6 = arith.addi %mul3A_2, %add3A_5 : i32
    %run_scoped3A_7 = arith.constant 1 : i32
    "tpu.region"() ({
      %run_scoped3A_108 = tpu.sem_alloc : memref<!tpu.dma_semaphore, #tpu.memory_space<semaphore_mem>>
      %dma_start3A_109 = arith.constant 0 : i32
      %dma_start3A_110 = tpu.memref_slice %arg5[%run_scoped3A_7, %dma_start3A_109] : memref<4x128xi32, #tpu.memory_space<vmem>> -> memref<1x128xi32, #tpu.memory_space<vmem>>
      %dma_start3A_111 = tpu.memref_squeeze %dma_start3A_110 : memref<1x128xi32, #tpu.memory_space<vmem>> -> memref<128xi32, #tpu.memory_space<vmem>>
      %dma_start3A_112 = tpu.memref_slice %arg2[%add3A_6] : memref<16384xi32, #tpu.memory_space<hbm>> -> memref<128xi32, #tpu.memory_space<hbm>>
      %dma_start3A_113 = arith.constant 0 : i32
      %dma_start3A_114 = tpu.memref_slice %arg5[%run_scoped3A_7, %dma_start3A_113] : memref<4x128xi32, #tpu.memory_space<vmem>> -> memref<1x128xi32, #tpu.memory_space<vmem>>
      %dma_start3A_115 = tpu.memref_squeeze %dma_start3A_114 : memref<1x128xi32, #tpu.memory_space<vmem>> -> memref<128xi32, #tpu.memory_space<vmem>>
      %dma_start3A_116 = tpu.memref_slice %arg2[%add3A_6] : memref<16384xi32, #tpu.memory_space<hbm>> -> memref<128xi32, #tpu.memory_space<hbm>>
      tpu.enqueue_dma source(%dma_start3A_116 : memref<128xi32, #tpu.memory_space<hbm>>) target(%dma_start3A_115 : memref<128xi32, #tpu.memory_space<vmem>>) target_semaphore(%run_scoped3A_108 : memref<!tpu.dma_semaphore, #tpu.memory_space<semaphore_mem>>)
      %dma_wait3A_117 = arith.constant 0 : i32
      %dma_wait3A_118 = tpu.memref_slice %arg5[%run_scoped3A_7, %dma_wait3A_117] : memref<4x128xi32, #tpu.memory_space<vmem>> -> memref<1x128xi32, #tpu.memory_space<vmem>>
      %dma_wait3A_119 = tpu.memref_squeeze %dma_wait3A_118 : memref<1x128xi32, #tpu.memory_space<vmem>> -> memref<128xi32, #tpu.memory_space<vmem>>
      %dma_wait3A_120 = tpu.memref_slice %arg2[%add3A_6] : memref<16384xi32, #tpu.memory_space<hbm>> -> memref<128xi32, #tpu.memory_space<hbm>>
      %dma_wait3A_121 = arith.constant 0 : i32
      %dma_wait3A_122 = tpu.memref_slice %arg5[%run_scoped3A_7, %dma_wait3A_121] : memref<4x128xi32, #tpu.memory_space<vmem>> -> memref<1x128xi32, #tpu.memory_space<vmem>>
      %dma_wait3A_123 = tpu.memref_squeeze %dma_wait3A_122 : memref<1x128xi32, #tpu.memory_space<vmem>> -> memref<128xi32, #tpu.memory_space<vmem>>
      %dma_wait3A_124 = tpu.memref_slice %arg2[%add3A_6] : memref<16384xi32, #tpu.memory_space<hbm>> -> memref<128xi32, #tpu.memory_space<hbm>>
      tpu.wait_dma2 semaphore(%run_scoped3A_108 : memref<!tpu.dma_semaphore, #tpu.memory_space<semaphore_mem>>) src(%dma_wait3A_124 : memref<128xi32, #tpu.memory_space<hbm>>) dst(%dma_wait3A_123 : memref<128xi32, #tpu.memory_space<vmem>>)
      tpu.yield
    }) : () -> ()
    %add3A_8 = arith.constant 256 : i32
    %add3A_9 = arith.addi %mul3A_2, %add3A_8 : i32
    %run_scoped3A_10 = arith.constant 2 : i32
    "tpu.region"() ({
      %run_scoped3A_108 = tpu.sem_alloc : memref<!tpu.dma_semaphore, #tpu.memory_space<semaphore_mem>>
      %dma_start3A_109 = arith.constant 0 : i32
      %dma_start3A_110 = tpu.memref_slice %arg5[%run_scoped3A_10, %dma_start3A_109] : memref<4x128xi32, #tpu.memory_space<vmem>> -> memref<1x128xi32, #tpu.memory_space<vmem>>
      %dma_start3A_111 = tpu.memref_squeeze %dma_start3A_110 : memref<1x128xi32, #tpu.memory_space<vmem>> -> memref<128xi32, #tpu.memory_space<vmem>>
      %dma_start3A_112 = tpu.memref_slice %arg2[%add3A_9] : memref<16384xi32, #tpu.memory_space<hbm>> -> memref<128xi32, #tpu.memory_space<hbm>>
      %dma_start3A_113 = arith.constant 0 : i32
      %dma_start3A_114 = tpu.memref_slice %arg5[%run_scoped3A_10, %dma_start3A_113] : memref<4x128xi32, #tpu.memory_space<vmem>> -> memref<1x128xi32, #tpu.memory_space<vmem>>
      %dma_start3A_115 = tpu.memref_squeeze %dma_start3A_114 : memref<1x128xi32, #tpu.memory_space<vmem>> -> memref<128xi32, #tpu.memory_space<vmem>>
      %dma_start3A_116 = tpu.memref_slice %arg2[%add3A_9] : memref<16384xi32, #tpu.memory_space<hbm>> -> memref<128xi32, #tpu.memory_space<hbm>>
      tpu.enqueue_dma source(%dma_start3A_116 : memref<128xi32, #tpu.memory_space<hbm>>) target(%dma_start3A_115 : memref<128xi32, #tpu.memory_space<vmem>>) target_semaphore(%run_scoped3A_108 : memref<!tpu.dma_semaphore, #tpu.memory_space<semaphore_mem>>)
      %dma_wait3A_117 = arith.constant 0 : i32
      %dma_wait3A_118 = tpu.memref_slice %arg5[%run_scoped3A_10, %dma_wait3A_117] : memref<4x128xi32, #tpu.memory_space<vmem>> -> memref<1x128xi32, #tpu.memory_space<vmem>>
      %dma_wait3A_119 = tpu.memref_squeeze %dma_wait3A_118 : memref<1x128xi32, #tpu.memory_space<vmem>> -> memref<128xi32, #tpu.memory_space<vmem>>
      %dma_wait3A_120 = tpu.memref_slice %arg2[%add3A_9] : memref<16384xi32, #tpu.memory_space<hbm>> -> memref<128xi32, #tpu.memory_space<hbm>>
      %dma_wait3A_121 = arith.constant 0 : i32
      %dma_wait3A_122 = tpu.memref_slice %arg5[%run_scoped3A_10, %dma_wait3A_121] : memref<4x128xi32, #tpu.memory_space<vmem>> -> memref<1x128xi32, #tpu.memory_space<vmem>>
      %dma_wait3A_123 = tpu.memref_squeeze %dma_wait3A_122 : memref<1x128xi32, #tpu.memory_space<vmem>> -> memref<128xi32, #tpu.memory_space<vmem>>
      %dma_wait3A_124 = tpu.memref_slice %arg2[%add3A_9] : memref<16384xi32, #tpu.memory_space<hbm>> -> memref<128xi32, #tpu.memory_space<hbm>>
      tpu.wait_dma2 semaphore(%run_scoped3A_108 : memref<!tpu.dma_semaphore, #tpu.memory_space<semaphore_mem>>) src(%dma_wait3A_124 : memref<128xi32, #tpu.memory_space<hbm>>) dst(%dma_wait3A_123 : memref<128xi32, #tpu.memory_space<vmem>>)
      tpu.yield
    }) : () -> ()
    %add3A_11 = arith.constant 384 : i32
    %add3A_12 = arith.addi %mul3A_2, %add3A_11 : i32
    %run_scoped3A_13 = arith.constant 3 : i32
    "tpu.region"() ({
      %run_scoped3A_108 = tpu.sem_alloc : memref<!tpu.dma_semaphore, #tpu.memory_space<semaphore_mem>>
      %dma_start3A_109 = arith.constant 0 : i32
      %dma_start3A_110 = tpu.memref_slice %arg5[%run_scoped3A_13, %dma_start3A_109] : memref<4x128xi32, #tpu.memory_space<vmem>> -> memref<1x128xi32, #tpu.memory_space<vmem>>
      %dma_start3A_111 = tpu.memref_squeeze %dma_start3A_110 : memref<1x128xi32, #tpu.memory_space<vmem>> -> memref<128xi32, #tpu.memory_space<vmem>>
      %dma_start3A_112 = tpu.memref_slice %arg2[%add3A_12] : memref<16384xi32, #tpu.memory_space<hbm>> -> memref<128xi32, #tpu.memory_space<hbm>>
      %dma_start3A_113 = arith.constant 0 : i32
      %dma_start3A_114 = tpu.memref_slice %arg5[%run_scoped3A_13, %dma_start3A_113] : memref<4x128xi32, #tpu.memory_space<vmem>> -> memref<1x128xi32, #tpu.memory_space<vmem>>
      %dma_start3A_115 = tpu.memref_squeeze %dma_start3A_114 : memref<1x128xi32, #tpu.memory_space<vmem>> -> memref<128xi32, #tpu.memory_space<vmem>>
      %dma_start3A_116 = tpu.memref_slice %arg2[%add3A_12] : memref<16384xi32, #tpu.memory_space<hbm>> -> memref<128xi32, #tpu.memory_space<hbm>>
      tpu.enqueue_dma source(%dma_start3A_116 : memref<128xi32, #tpu.memory_space<hbm>>) target(%dma_start3A_115 : memref<128xi32, #tpu.memory_space<vmem>>) target_semaphore(%run_scoped3A_108 : memref<!tpu.dma_semaphore, #tpu.memory_space<semaphore_mem>>)
      %dma_wait3A_117 = arith.constant 0 : i32
      %dma_wait3A_118 = tpu.memref_slice %arg5[%run_scoped3A_13, %dma_wait3A_117] : memref<4x128xi32, #tpu.memory_space<vmem>> -> memref<1x128xi32, #tpu.memory_space<vmem>>
      %dma_wait3A_119 = tpu.memref_squeeze %dma_wait3A_118 : memref<1x128xi32, #tpu.memory_space<vmem>> -> memref<128xi32, #tpu.memory_space<vmem>>
      %dma_wait3A_120 = tpu.memref_slice %arg2[%add3A_12] : memref<16384xi32, #tpu.memory_space<hbm>> -> memref<128xi32, #tpu.memory_space<hbm>>
      %dma_wait3A_121 = arith.constant 0 : i32
      %dma_wait3A_122 = tpu.memref_slice %arg5[%run_scoped3A_13, %dma_wait3A_121] : memref<4x128xi32, #tpu.memory_space<vmem>> -> memref<1x128xi32, #tpu.memory_space<vmem>>
      %dma_wait3A_123 = tpu.memref_squeeze %dma_wait3A_122 : memref<1x128xi32, #tpu.memory_space<vmem>> -> memref<128xi32, #tpu.memory_space<vmem>>
      %dma_wait3A_124 = tpu.memref_slice %arg2[%add3A_12] : memref<16384xi32, #tpu.memory_space<hbm>> -> memref<128xi32, #tpu.memory_space<hbm>>
      tpu.wait_dma2 semaphore(%run_scoped3A_108 : memref<!tpu.dma_semaphore, #tpu.memory_space<semaphore_mem>>) src(%dma_wait3A_124 : memref<128xi32, #tpu.memory_space<hbm>>) dst(%dma_wait3A_123 : memref<128xi32, #tpu.memory_space<vmem>>)
      tpu.yield
    }) : () -> ()
    %dma_start3A = arith.constant 0 : i32
    %dma_start3A_14 = arith.constant 0 : i32
    %dma_start3A_15 = tpu.memref_slice %arg5[%dma_start3A, %dma_start3A_14] : memref<4x128xi32, #tpu.memory_space<vmem>> -> memref<1x128xi32, #tpu.memory_space<vmem>>
    %dma_start3A_16 = tpu.memref_squeeze %dma_start3A_15 : memref<1x128xi32, #tpu.memory_space<vmem>> -> memref<128xi32, #tpu.memory_space<vmem>>
    %dma_start3A_17 = arith.constant 0 : i32
    %dma_start3A_18 = arith.constant 0 : i32
    %dma_start3A_19 = tpu.memref_slice %arg3[%dma_start3A_17, %dma_start3A_18] : memref<100000x128xf32, #tpu.memory_space<hbm>> -> memref<100000x128xf32, #tpu.memory_space<hbm>>
    tpu.enqueue_indirect_dma source(%dma_start3A_19 : memref<100000x128xf32, #tpu.memory_space<hbm>>) target(%arg6 : memref<128x128xf32, #tpu.memory_space<vmem>>) offsets(%dma_start3A_16 : memref<128xi32, #tpu.memory_space<vmem>>) semaphore(%arg8 : memref<!tpu.dma_semaphore, #tpu.memory_space<semaphore_mem>>)
    %dma_start3A_20 = arith.constant 1 : i32
    %dma_start3A_21 = arith.constant 0 : i32
    %dma_start3A_22 = tpu.memref_slice %arg5[%dma_start3A_20, %dma_start3A_21] : memref<4x128xi32, #tpu.memory_space<vmem>> -> memref<1x128xi32, #tpu.memory_space<vmem>>
    %dma_start3A_23 = tpu.memref_squeeze %dma_start3A_22 : memref<1x128xi32, #tpu.memory_space<vmem>> -> memref<128xi32, #tpu.memory_space<vmem>>
    %dma_start3A_24 = arith.constant 0 : i32
    %dma_start3A_25 = arith.constant 0 : i32
    %dma_start3A_26 = tpu.memref_slice %arg3[%dma_start3A_24, %dma_start3A_25] : memref<100000x128xf32, #tpu.memory_space<hbm>> -> memref<100000x128xf32, #tpu.memory_space<hbm>>
    tpu.enqueue_indirect_dma source(%dma_start3A_26 : memref<100000x128xf32, #tpu.memory_space<hbm>>) target(%arg7 : memref<128x128xf32, #tpu.memory_space<vmem>>) offsets(%dma_start3A_23 : memref<128xi32, #tpu.memory_space<vmem>>) semaphore(%arg9 : memref<!tpu.dma_semaphore, #tpu.memory_space<semaphore_mem>>)
    %dma_wait3A = arith.constant 0 : i32
    %dma_wait3A_27 = arith.constant 0 : i32
    %dma_wait3A_28 = tpu.memref_slice %arg5[%dma_wait3A, %dma_wait3A_27] : memref<4x128xi32, #tpu.memory_space<vmem>> -> memref<1x128xi32, #tpu.memory_space<vmem>>
    %dma_wait3A_29 = tpu.memref_squeeze %dma_wait3A_28 : memref<1x128xi32, #tpu.memory_space<vmem>> -> memref<128xi32, #tpu.memory_space<vmem>>
    %dma_wait3A_30 = arith.constant 0 : i32
    %dma_wait3A_31 = arith.constant 0 : i32
    %dma_wait3A_32 = tpu.memref_slice %arg3[%dma_wait3A_30, %dma_wait3A_31] : memref<100000x128xf32, #tpu.memory_space<hbm>> -> memref<100000x128xf32, #tpu.memory_space<hbm>>
    tpu.wait_indirect_dma semaphore(%arg8 : memref<!tpu.dma_semaphore, #tpu.memory_space<semaphore_mem>>) src(%dma_wait3A_32 : memref<100000x128xf32, #tpu.memory_space<hbm>>) dst(%arg6 : memref<128x128xf32, #tpu.memory_space<vmem>>)
    %add3A_33 = arith.constant 0 : i32
    %add3A_34 = arith.addi %mul3A_2, %add3A_33 : i32
    %dma_start3A_35 = arith.constant 0 : i32
    %dma_start3A_36 = tpu.memref_slice %arg4[%add3A_34, %dma_start3A_35] : memref<16384x128xf32, #tpu.memory_space<hbm>> -> memref<128x128xf32, #tpu.memory_space<hbm>>
    %dma_start3A_37 = arith.constant 0 : i32
    %dma_start3A_38 = tpu.memref_slice %arg4[%add3A_34, %dma_start3A_37] : memref<16384x128xf32, #tpu.memory_space<hbm>> -> memref<128x128xf32, #tpu.memory_space<hbm>>
    tpu.enqueue_dma source(%arg6 : memref<128x128xf32, #tpu.memory_space<vmem>>) target(%dma_start3A_38 : memref<128x128xf32, #tpu.memory_space<hbm>>) target_semaphore(%arg10 : memref<!tpu.dma_semaphore, #tpu.memory_space<semaphore_mem>>)
    %dma_wait3A_39 = arith.constant 1 : i32
    %dma_wait3A_40 = arith.constant 0 : i32
    %dma_wait3A_41 = tpu.memref_slice %arg5[%dma_wait3A_39, %dma_wait3A_40] : memref<4x128xi32, #tpu.memory_space<vmem>> -> memref<1x128xi32, #tpu.memory_space<vmem>>
    %dma_wait3A_42 = tpu.memref_squeeze %dma_wait3A_41 : memref<1x128xi32, #tpu.memory_space<vmem>> -> memref<128xi32, #tpu.memory_space<vmem>>
    %dma_wait3A_43 = arith.constant 0 : i32
    %dma_wait3A_44 = arith.constant 0 : i32
    %dma_wait3A_45 = tpu.memref_slice %arg3[%dma_wait3A_43, %dma_wait3A_44] : memref<100000x128xf32, #tpu.memory_space<hbm>> -> memref<100000x128xf32, #tpu.memory_space<hbm>>
    tpu.wait_indirect_dma semaphore(%arg9 : memref<!tpu.dma_semaphore, #tpu.memory_space<semaphore_mem>>) src(%dma_wait3A_45 : memref<100000x128xf32, #tpu.memory_space<hbm>>) dst(%arg7 : memref<128x128xf32, #tpu.memory_space<vmem>>)
    %add3A_46 = arith.constant 128 : i32
    %add3A_47 = arith.addi %mul3A_2, %add3A_46 : i32
    %dma_start3A_48 = arith.constant 0 : i32
    %dma_start3A_49 = tpu.memref_slice %arg4[%add3A_47, %dma_start3A_48] : memref<16384x128xf32, #tpu.memory_space<hbm>> -> memref<128x128xf32, #tpu.memory_space<hbm>>
    %dma_start3A_50 = arith.constant 0 : i32
    %dma_start3A_51 = tpu.memref_slice %arg4[%add3A_47, %dma_start3A_50] : memref<16384x128xf32, #tpu.memory_space<hbm>> -> memref<128x128xf32, #tpu.memory_space<hbm>>
    tpu.enqueue_dma source(%arg7 : memref<128x128xf32, #tpu.memory_space<vmem>>) target(%dma_start3A_51 : memref<128x128xf32, #tpu.memory_space<hbm>>) target_semaphore(%arg11 : memref<!tpu.dma_semaphore, #tpu.memory_space<semaphore_mem>>)
    %dma_wait3A_52 = arith.constant 0 : i32
    %dma_wait3A_53 = tpu.memref_slice %arg4[%add3A_34, %dma_wait3A_52] : memref<16384x128xf32, #tpu.memory_space<hbm>> -> memref<128x128xf32, #tpu.memory_space<hbm>>
    %dma_wait3A_54 = arith.constant 0 : i32
    %dma_wait3A_55 = tpu.memref_slice %arg4[%add3A_34, %dma_wait3A_54] : memref<16384x128xf32, #tpu.memory_space<hbm>> -> memref<128x128xf32, #tpu.memory_space<hbm>>
    tpu.wait_dma2 semaphore(%arg10 : memref<!tpu.dma_semaphore, #tpu.memory_space<semaphore_mem>>) src(%arg6 : memref<128x128xf32, #tpu.memory_space<vmem>>) dst(%dma_wait3A_55 : memref<128x128xf32, #tpu.memory_space<hbm>>)
    %dma_start3A_56 = arith.constant 2 : i32
    %dma_start3A_57 = arith.constant 0 : i32
    %dma_start3A_58 = tpu.memref_slice %arg5[%dma_start3A_56, %dma_start3A_57] : memref<4x128xi32, #tpu.memory_space<vmem>> -> memref<1x128xi32, #tpu.memory_space<vmem>>
    %dma_start3A_59 = tpu.memref_squeeze %dma_start3A_58 : memref<1x128xi32, #tpu.memory_space<vmem>> -> memref<128xi32, #tpu.memory_space<vmem>>
    %dma_start3A_60 = arith.constant 0 : i32
    %dma_start3A_61 = arith.constant 0 : i32
    %dma_start3A_62 = tpu.memref_slice %arg3[%dma_start3A_60, %dma_start3A_61] : memref<100000x128xf32, #tpu.memory_space<hbm>> -> memref<100000x128xf32, #tpu.memory_space<hbm>>
    tpu.enqueue_indirect_dma source(%dma_start3A_62 : memref<100000x128xf32, #tpu.memory_space<hbm>>) target(%arg6 : memref<128x128xf32, #tpu.memory_space<vmem>>) offsets(%dma_start3A_59 : memref<128xi32, #tpu.memory_space<vmem>>) semaphore(%arg8 : memref<!tpu.dma_semaphore, #tpu.memory_space<semaphore_mem>>)
    %dma_wait3A_63 = arith.constant 2 : i32
    %dma_wait3A_64 = arith.constant 0 : i32
    %dma_wait3A_65 = tpu.memref_slice %arg5[%dma_wait3A_63, %dma_wait3A_64] : memref<4x128xi32, #tpu.memory_space<vmem>> -> memref<1x128xi32, #tpu.memory_space<vmem>>
    %dma_wait3A_66 = tpu.memref_squeeze %dma_wait3A_65 : memref<1x128xi32, #tpu.memory_space<vmem>> -> memref<128xi32, #tpu.memory_space<vmem>>
    %dma_wait3A_67 = arith.constant 0 : i32
    %dma_wait3A_68 = arith.constant 0 : i32
    %dma_wait3A_69 = tpu.memref_slice %arg3[%dma_wait3A_67, %dma_wait3A_68] : memref<100000x128xf32, #tpu.memory_space<hbm>> -> memref<100000x128xf32, #tpu.memory_space<hbm>>
    tpu.wait_indirect_dma semaphore(%arg8 : memref<!tpu.dma_semaphore, #tpu.memory_space<semaphore_mem>>) src(%dma_wait3A_69 : memref<100000x128xf32, #tpu.memory_space<hbm>>) dst(%arg6 : memref<128x128xf32, #tpu.memory_space<vmem>>)
    %add3A_70 = arith.constant 256 : i32
    %add3A_71 = arith.addi %mul3A_2, %add3A_70 : i32
    %dma_start3A_72 = arith.constant 0 : i32
    %dma_start3A_73 = tpu.memref_slice %arg4[%add3A_71, %dma_start3A_72] : memref<16384x128xf32, #tpu.memory_space<hbm>> -> memref<128x128xf32, #tpu.memory_space<hbm>>
    %dma_start3A_74 = arith.constant 0 : i32
    %dma_start3A_75 = tpu.memref_slice %arg4[%add3A_71, %dma_start3A_74] : memref<16384x128xf32, #tpu.memory_space<hbm>> -> memref<128x128xf32, #tpu.memory_space<hbm>>
    tpu.enqueue_dma source(%arg6 : memref<128x128xf32, #tpu.memory_space<vmem>>) target(%dma_start3A_75 : memref<128x128xf32, #tpu.memory_space<hbm>>) target_semaphore(%arg10 : memref<!tpu.dma_semaphore, #tpu.memory_space<semaphore_mem>>)
    %dma_wait3A_76 = arith.constant 0 : i32
    %dma_wait3A_77 = tpu.memref_slice %arg4[%add3A_47, %dma_wait3A_76] : memref<16384x128xf32, #tpu.memory_space<hbm>> -> memref<128x128xf32, #tpu.memory_space<hbm>>
    %dma_wait3A_78 = arith.constant 0 : i32
    %dma_wait3A_79 = tpu.memref_slice %arg4[%add3A_47, %dma_wait3A_78] : memref<16384x128xf32, #tpu.memory_space<hbm>> -> memref<128x128xf32, #tpu.memory_space<hbm>>
    tpu.wait_dma2 semaphore(%arg11 : memref<!tpu.dma_semaphore, #tpu.memory_space<semaphore_mem>>) src(%arg7 : memref<128x128xf32, #tpu.memory_space<vmem>>) dst(%dma_wait3A_79 : memref<128x128xf32, #tpu.memory_space<hbm>>)
    %dma_start3A_80 = arith.constant 3 : i32
    %dma_start3A_81 = arith.constant 0 : i32
    %dma_start3A_82 = tpu.memref_slice %arg5[%dma_start3A_80, %dma_start3A_81] : memref<4x128xi32, #tpu.memory_space<vmem>> -> memref<1x128xi32, #tpu.memory_space<vmem>>
    %dma_start3A_83 = tpu.memref_squeeze %dma_start3A_82 : memref<1x128xi32, #tpu.memory_space<vmem>> -> memref<128xi32, #tpu.memory_space<vmem>>
    %dma_start3A_84 = arith.constant 0 : i32
    %dma_start3A_85 = arith.constant 0 : i32
    %dma_start3A_86 = tpu.memref_slice %arg3[%dma_start3A_84, %dma_start3A_85] : memref<100000x128xf32, #tpu.memory_space<hbm>> -> memref<100000x128xf32, #tpu.memory_space<hbm>>
    tpu.enqueue_indirect_dma source(%dma_start3A_86 : memref<100000x128xf32, #tpu.memory_space<hbm>>) target(%arg7 : memref<128x128xf32, #tpu.memory_space<vmem>>) offsets(%dma_start3A_83 : memref<128xi32, #tpu.memory_space<vmem>>) semaphore(%arg9 : memref<!tpu.dma_semaphore, #tpu.memory_space<semaphore_mem>>)
    %dma_wait3A_87 = arith.constant 3 : i32
    %dma_wait3A_88 = arith.constant 0 : i32
    %dma_wait3A_89 = tpu.memref_slice %arg5[%dma_wait3A_87, %dma_wait3A_88] : memref<4x128xi32, #tpu.memory_space<vmem>> -> memref<1x128xi32, #tpu.memory_space<vmem>>
    %dma_wait3A_90 = tpu.memref_squeeze %dma_wait3A_89 : memref<1x128xi32, #tpu.memory_space<vmem>> -> memref<128xi32, #tpu.memory_space<vmem>>
    %dma_wait3A_91 = arith.constant 0 : i32
    %dma_wait3A_92 = arith.constant 0 : i32
    %dma_wait3A_93 = tpu.memref_slice %arg3[%dma_wait3A_91, %dma_wait3A_92] : memref<100000x128xf32, #tpu.memory_space<hbm>> -> memref<100000x128xf32, #tpu.memory_space<hbm>>
    tpu.wait_indirect_dma semaphore(%arg9 : memref<!tpu.dma_semaphore, #tpu.memory_space<semaphore_mem>>) src(%dma_wait3A_93 : memref<100000x128xf32, #tpu.memory_space<hbm>>) dst(%arg7 : memref<128x128xf32, #tpu.memory_space<vmem>>)
    %add3A_94 = arith.constant 384 : i32
    %add3A_95 = arith.addi %mul3A_2, %add3A_94 : i32
    %dma_start3A_96 = arith.constant 0 : i32
    %dma_start3A_97 = tpu.memref_slice %arg4[%add3A_95, %dma_start3A_96] : memref<16384x128xf32, #tpu.memory_space<hbm>> -> memref<128x128xf32, #tpu.memory_space<hbm>>
    %dma_start3A_98 = arith.constant 0 : i32
    %dma_start3A_99 = tpu.memref_slice %arg4[%add3A_95, %dma_start3A_98] : memref<16384x128xf32, #tpu.memory_space<hbm>> -> memref<128x128xf32, #tpu.memory_space<hbm>>
    tpu.enqueue_dma source(%arg7 : memref<128x128xf32, #tpu.memory_space<vmem>>) target(%dma_start3A_99 : memref<128x128xf32, #tpu.memory_space<hbm>>) target_semaphore(%arg11 : memref<!tpu.dma_semaphore, #tpu.memory_space<semaphore_mem>>)
    %dma_wait3A_100 = arith.constant 0 : i32
    %dma_wait3A_101 = tpu.memref_slice %arg4[%add3A_71, %dma_wait3A_100] : memref<16384x128xf32, #tpu.memory_space<hbm>> -> memref<128x128xf32, #tpu.memory_space<hbm>>
    %dma_wait3A_102 = arith.constant 0 : i32
    %dma_wait3A_103 = tpu.memref_slice %arg4[%add3A_71, %dma_wait3A_102] : memref<16384x128xf32, #tpu.memory_space<hbm>> -> memref<128x128xf32, #tpu.memory_space<hbm>>
    tpu.wait_dma2 semaphore(%arg10 : memref<!tpu.dma_semaphore, #tpu.memory_space<semaphore_mem>>) src(%arg6 : memref<128x128xf32, #tpu.memory_space<vmem>>) dst(%dma_wait3A_103 : memref<128x128xf32, #tpu.memory_space<hbm>>)
    %dma_wait3A_104 = arith.constant 0 : i32
    %dma_wait3A_105 = tpu.memref_slice %arg4[%add3A_95, %dma_wait3A_104] : memref<16384x128xf32, #tpu.memory_space<hbm>> -> memref<128x128xf32, #tpu.memory_space<hbm>>
    %dma_wait3A_106 = arith.constant 0 : i32
    %dma_wait3A_107 = tpu.memref_slice %arg4[%add3A_95, %dma_wait3A_106] : memref<16384x128xf32, #tpu.memory_space<hbm>> -> memref<128x128xf32, #tpu.memory_space<hbm>>
    tpu.wait_dma2 semaphore(%arg11 : memref<!tpu.dma_semaphore, #tpu.memory_space<semaphore_mem>>) src(%arg7 : memref<128x128xf32, #tpu.memory_space<vmem>>) dst(%dma_wait3A_107 : memref<128x128xf32, #tpu.memory_space<hbm>>)
    return
  }
}

</mosaic_0001>

<sc_bundles>
// kernel: kernel.4.cloned.1.call-start
scs
__scs_entry_jumppad:
0x0: {  	(pc) =	sbr.rel $0x88, $3  }
0x1: {  	(tag) =	ssettag $0x0;
	lr =	simm.s32 $0x1  }
0x2: {  	[smem:$0x3F9D] =	sst lr;
	_ =	strace $0xD0000000  }
0x3: {  	_ = 	snop  }
0x4: {  	_ = 	snop  }
0x5: {  	_ = 	snop  }
0x6: {  	_ = 	snop  }
0x7: {  	_ = 	snop  }
__scs_overlays_trampoline_lowered:
0x8: {  	[smem:$0x3FAC] =	sst s0  }
0x9: {  	[smem:$0x3FAD] =	sst s1  }
0xa: {  	[smem:$0x3FAE] =	sst s2  }
0xb: {  	[smem:$0x3FAF] =	sst s3  }
0xc: {  	[smem:$0x3FB0] =	sst s4  }
0xd: {  	[smem:$0x3FB1] =	sst s5  }
0xe: {  	[smem:$0x3FB2] =	sst s6  }
0xf: {  	[smem:$0x3FB3] =	sst s7  }
0x10: {  	[smem:$0x3FB4] =	sst s8  }
0x11: {  	[smem:$0x3FB5] =	sst s9;
	s0 =	simm.s32 @!p0 $0x0  }
0x12: {  	s1 =	sld [smem:$0x3F9B];
	s0 =	simm.s32 @p0 $0x1  }
0x13: {  	[smem:$0x3FB6] =	sst s0;
	s0 =	simm.s32 @!p1 $0x0  }
0x14: {  	s2 =	sld [smem:$0x3F9A];
	s0 =	simm.s32 @p1 $0x1  }
0x15: {  	[smem:$0x3FB7] =	sst s0;
	s0 =	simm.s32 @!p2 $0x0  }
0x16: {  	s3 =	sld [smem:$0x3FDB];
	s0 =	simm.s32 @p2 $0x1  }
0x17: {  	s4 =	simm.s32 $0x1BF5;
	[smem:$0x3FB9] =	sst s0  }
0x18: {  	s0 =	sld [smem:$0x3F9C];
	_ =	swait.ge [sflag:s4], $0x0  }
0x19: {  	s7 =	sld [smem:$0x3F9D]  }
0x1a: {  	s8 =	sadd.s32 $0xFFFFE003, lr  }
0x1b: {  	s9 =	sadd.s32 $0xFFFFFEF7, lr;
	s5 =	simm.s32 $0xFFFFFFFF;
	p2 =	slt.u32 s8, $0xFFFFF086  }
0x1c: {  	p1 =	slt.u32 s9, $0xF7A;
	s5 =	simm.s32 @!p2 $0x0  }
0x1d: {  	s5 =	simm.s32 @p1 $0x1;
	p0 =	seq.s32 s7, s2  }
0x1e: {  	s7 =	smul.u32 @!p0 $0xF7A, s2;
	p2 =	seq.s32 @!p0 s5, $0x0  }
0x1f: {  	s9 =	smul.u32 $0xF7A, s1;
	s8 =	simm.s32 @!p0 $0x1BF5;
	p2 =	por !p2, p0  }
0x20: {  	[sflag:s8] =	ssyncset.s32 @!p0 $0xFFFFF086;
	s6 =	sadd.s32 @!p0 s3, s7;
	s7 =	simm.s32 @!p0 $0x108  }
0x21: {  	s3 =	sadd.s32 s3, s9;
	s6 =	sadd.s32 @!p0 $0x88, s6;
	s7 =	simm.s32 @p2 $0x1082  }
0x22: {  	[simem:s7], [sflag:s8] =	dma.local @!p0 [hbm:s6], $0xF7A  }
0x23: {  	s9 =	sor.u32 $0xD0000000, s2;
	s6 =	simm.s32 $0x108;
	_ =	swait.ge @!p0 [sflag:s8], $0x0  }
0x24: {  	s3 =	sadd.s32 $0x88, s3;
	s6 =	simm.s32 @!p1 $0x1082;
	[sflag:s4] =	ssyncset.s32 $0xFFFFF086  }
0x25: {  	[simem:s6], [sflag:s4] =	dma.local [hbm:s3], $0xF7A  }
0x26: {  	[smem:$0x3F9D] =	sst s1;
	(tag) =	ssettag s2;
	_ =	strace s9  }
0x27: {  	s1 =	sld [smem:$0x3FAD]  }
0x28: {  	s2 =	sld [smem:$0x3FAE]  }
0x29: {  	s4 =	sld [smem:$0x3FB0]  }
0x2a: {  	p0 =	seq.s32 s5, $0x0;
	s5 =	sld [smem:$0x3FB1]  }
0x2b: {  	s6 =	sld [smem:$0x3FB2]  }
0x2c: {  	s7 =	sld [smem:$0x3FB3]  }
0x2d: {  	s3 =	simm.s32 $0x108;
	s8 =	sld [smem:$0x3FB4]  }
0x2e: {  	s3 =	simm.s32 @!p0 $0x1082;
	s9 =	sld [smem:$0x3FB5]  }
0x2f: {  	lr =	sadd.s32 s0, s3;
	s0 =	sld [smem:$0x3FAC]  }
0x30: {  	s3 =	sld [smem:$0x3FAF]  }
0x31: {  	[smem:$0x3FB8] =	sst s10  }
0x32: {  	s10 =	sld [smem:$0x3FB6];
	_ =	sdelay $0x3  }
0x33: {  	p0 =	seq.s32 s10, $0x1;
	s10 =	sld [smem:$0x3FB8];
	_ =	sdelay $0x3  }
0x34: {  	[smem:$0x3FB8] =	sst s10  }
0x35: {  	s10 =	sld [smem:$0x3FB7];
	_ =	sdelay $0x3  }
0x36: {  	p1 =	seq.s32 s10, $0x1;
	s10 =	sld [smem:$0x3FB8];
	_ =	sdelay $0x3  }
0x37: {  	[smem:$0x3FB8] =	sst s10  }
0x38: {  	s10 =	sld [smem:$0x3FB9]  }
0x39: {  	_ = 	snop;
	(pc) =	sbr.ind lr, $3  }
0x3a: {  	_ = 	snop  }
0x3b: {  	_ = 	snop  }
0x3c: {  	p2 =	seq.s32 s10, $0x1;
	s10 =	sld [smem:$0x3FB8]  }
0x3d: {  	_ =	shalt  }
0x3e: {  	_ =	shalt  }
0x3f: {  	_ =	shalt  }
0x40: {  	_ =	shalt  }
0x41: {  	_ =	shalt  }
0x42: {  	_ =	shalt  }
0x43: {  	_ =	shalt  }
0x44: {  	_ =	shalt  }
0x45: {  	_ =	shalt  }
0x46: {  	_ =	shalt  }
0x47: {  	_ =	shalt  }
0x48: {  	_ =	shalt  }
0x49: {  	_ =	shalt  }
0x4a: {  	_ =	shalt  }
0x4b: {  	_ =	shalt  }
0x4c: {  	_ =	shalt  }
0x4d: {  	_ =	shalt  }
0x4e: {  	_ =	shalt  }
0x4f: {  	_ =	shalt  }
0x50: {  	_ =	shalt  }
0x51: {  	_ =	shalt  }
0x52: {  	_ =	shalt  }
0x53: {  	_ =	shalt  }
0x54: {  	_ =	shalt  }
0x55: {  	_ =	shalt  }
0x56: {  	_ =	shalt  }
0x57: {  	_ =	shalt  }
0x58: {  	_ =	shalt  }
0x59: {  	_ =	shalt  }
0x5a: {  	_ =	shalt  }
0x5b: {  	_ =	shalt  }
0x5c: {  	_ =	shalt  }
0x5d: {  	_ =	shalt  }
0x5e: {  	_ =	shalt  }
0x5f: {  	_ =	shalt  }
0x60: {  	_ =	shalt  }
0x61: {  	_ =	shalt  }
0x62: {  	_ =	shalt  }
0x63: {  	_ =	shalt  }
0x64: {  	_ =	shalt  }
0x65: {  	_ =	shalt  }
0x66: {  	_ =	shalt  }
0x67: {  	_ =	shalt  }
0x68: {  	_ =	shalt  }
0x69: {  	_ =	shalt  }
0x6a: {  	_ =	shalt  }
0x6b: {  	_ =	shalt  }
0x6c: {  	_ =	shalt  }
0x6d: {  	_ =	shalt  }
0x6e: {  	_ =	shalt  }
0x6f: {  	_ =	shalt  }
0x70: {  	_ =	shalt  }
0x71: {  	_ =	shalt  }
0x72: {  	_ =	shalt  }
0x73: {  	_ =	shalt  }
0x74: {  	_ =	shalt  }
0x75: {  	_ =	shalt  }
0x76: {  	_ =	shalt  }
0x77: {  	_ =	shalt  }
0x78: {  	_ =	shalt  }
0x79: {  	_ =	shalt  }
0x7a: {  	_ =	shalt  }
0x7b: {  	_ =	shalt  }
0x7c: {  	_ =	shalt  }
0x7d: {  	_ =	shalt  }
0x7e: {  	_ =	shalt  }
0x7f: {  	_ =	shalt  }
0x80: {  	_ =	shalt  }
0x81: {  	_ =	shalt  }
0x82: {  	_ =	shalt  }
0x83: {  	_ =	shalt  }
0x84: {  	_ =	shalt  }
0x85: {  	_ =	shalt  }
0x86: {  	_ =	shalt  }
0x87: {  	_ =	shalt  }
.Lfunc_end0:
.L_simem_size_0:
called_computation_lowered:
.L_overlay_start_0:
0x88: {  	s2 =	sld [smem:$0x3FD9]  }
0x89: {  	s3 =	sld [smem:$0x3FFE];
	_ =	sdelay $0x1  }
0x8a: {  	s1 =	srdreg.scid  }
0x8b: {  	s0 =	sand.u32 $0x1, s1  }
0x8c: {  	s15 =	sshll.u32 s0, $0xA;
	s2 =	sadd.s32 s3, s2  }
0x8d: {  	s2 =	sadd.s32 s2, s15  }
0x8e: {  	[smem:$0x3FC4] =	sst s2  }
0x8f: {  	_ = 	snop  }
0x90: {  	s2 =	sld [smem:$0x3FD0]  }
0x91: {  	s16 =	sld [smem:$0x3FC9]  }
0x92: {  	s4 =	sld [smem:$0x3FC8]  }
0x93: {  	s6 =	simm.s32 $0xA;
	s7 =	simm.s32 $0x10;
	s5 =	sld [smem:$0x3FC7]  }
0x94: {  	[smem:s7], [sflag:s6] =	dma.local [hbm:s2], $0x1  }
0x95: {  	_ =	swait.eq [sflag:s6], $0x1  }
0x96: {  	[sflag:s6] =	ssyncset.done $0x0  }
0x97: {  	s17 =	sld [smem:$0x10];
	[sflag:s6] =	ssyncadd.s32 $0xFFFFFFFF  }
0x98: {  	s18 =	sld [smem:$0x11];
	(tm) =	ssettm $0x1  }
0x99: {  	s19 =	sld [smem:$0x3FFB];
	_ =	sdelay $0x3  }
0x9a: {  	_ =	strace s19  }
0x9b: {  	s7 =	sld [smem:$0x3FFC];
	_ =	sdelay $0x3  }
0x9c: {  	_ =	strace s7  }
0x9d: {  	s7 =	sld [smem:$0x3FFD];
	_ =	sdelay $0x3  }
0x9e: {  	_ =	strace s7  }
0x9f: {  	_ =	strace $0x8FFFFFFF  }
0xa0: {  	s20 =	sld [smem:$0x3FDB];
	_ =	sdelay $0x1  }
0xa1: {  	s8 =	simm.s32 $_scs_section_size  }
0xa2: {  	s9 =	simm.s32 $_size__tile_overlayer_lowered;
	s10 =	simm.s32 $_tile_overlayer_lowered  }
0xa3: {  	s23 =	simm.s32 $0x1BFF;
	s22 =	sshll.u32 s10, $0x1;
	s7 =	sadd.s32 s8, s20  }
0xa4: {  	s11 =	simm.s32 $0x0;
	s21 =	sshll.u32 s9, $0x1;
	s9 =	sadd.s32 s22, s7  }
0xa5: {  	[timem:s11], [sflag:s23] =	dma.local [hbm:s9], s21  }
0xa6: {  	_ =	swait.ge [sflag:s23], s21  }
0xa7: {  	s8 =	ssub.s32 $0x0, s21;
	[sflag:s23] =	ssyncset.done $0x0  }
0xa8: {  	[sflag:s23] =	ssyncadd.s32 s8;
	_ =	sdelay $0x1  }
0xa9: {  	s24 =	simm.s32 $0x1B8B  }
0xaa: {  	_ =	swait.ge [sflag:s24], $0x1  }
0xab: {  	[sflag:s24] =	ssyncset.done $0x0  }
0xac: {  	s25 =	simm.s32 $0x1B8E;
	[sflag:s24] =	ssyncadd.s32 $0xFFFFFFFF  }
0xad: {  	s26 =	simm.s32 $execute0_lowered;
	[smem:$0x3FD2] =	sst s25  }
0xae: {  	s8 =	sshll.u32 s26, $0x1;
	_ =	strace $0x80000046;
	[dreg:$0x1] =	wrdreg $0xFFFFFFFF  }
0xaf: {  	s28 =	simm.s32 $_size_execute0_lowered;
	s7 =	sadd.s32 s7, s8;
	[dreg:$0x0] =	wrdreg $0x0  }
0xb0: {  	s8 =	sshll.u32 s28, $0x1;
	[dreg:$0x2] =	wrdreg s7  }
0xb1: {  	[dreg:$0x3] =	wrdreg s8  }
0xb2: {  	[dreg:$0x4] =	wrdreg $0xC0  }
0xb3: {  	_ =	task [dreg:s11], $0x5FFFF  }
0xb4: {  	[dreg:$0x1] =	wrdreg $0xFFFFFFFF  }
0xb5: {  	[dreg:$0x0] =	wrdreg $0x60  }
0xb6: {  	[dreg:$0x2] =	wrdreg s16  }
0xb7: {  	[dreg:$0x3] =	wrdreg s4  }
0xb8: {  	[dreg:$0x4] =	wrdreg s5  }
0xb9: {  	[dreg:$0x5] =	wrdreg s17  }
0xba: {  	[dreg:$0x6] =	wrdreg s18  }
0xbb: {  	[dreg:$0x7] =	wrdreg $0x9  }
0xbc: {  	_ =	task.clear_ibuf [dreg:s11], $0x8FFFF;
	_ =	strace $0x90000046  }
0xbd: {  	s29 =	simm.s32 $0x9;
	_ =	strace $0x80000048  }
0xbe: {  	_ =	swait.ge [sflag:s29], $0x1  }
0xbf: {  	[sflag:s29] =	ssyncadd.s32 $0xFFFFFFFF  }
0xc0: {  	_ =	strace $0x90000048  }
0xc1: {  	_ =	sfence  }
0xc2: {  	s30 =	sld [smem:$0x0];
	_ =	sdelay $0x2  }
0xc3: {  	s31 =	sshll.u32 s1, $0xD;
	s1 =	sshrl.u32 s1, $0x2  }
0xc4: {  	s3 =	sand.u32 $0x4000, s31;
	s1 =	sadd.s32 s1, s30  }
0xc5: {  	s0 =	sor.u32 s3, s0;
	s1 =	sshll.u32 s1, $0x11  }
0xc6: {  	s0 =	sor.u32 s1, s0  }
0xc7: {  	s0 =	sadd.s32 $0x8F2B, s0  }
0xc8: {  	[sflag:s0] =	ssyncadd.remote.s32 $0x1  }
0xc9: {  	_ =	sfence.sel $0xFFFF  }
0xca: {  	[dreg:$0x0] =	wrdreg $0xFFFFFFFF;
	(pc) =	sbr.abs _section_cstart, $3  }
0xcb: {  	[dreg:$0x1] =	wrdreg $0xFFFFFFFF  }
0xcc: {  	_ =	task.clear_ibuf [dreg:s11], $0x2FFFF;
	_ =	strace $0x9FFFFFFF  }
0xcd: {  	(tm) =	ssettm $0x7FFFFFFF  }
tec
execute0_lowered:
.L_overlay_start_1:
0x0: {  	(tag) =	ssettag $0x1  }
0x1: {  	s11 =	rddreg [dreg:$0x0]  }
0x2: {  	s1 =	rddreg [dreg:$0x1]  }
0x3: {  	s2 =	rddreg [dreg:$0x2];
	s3 =	srdreg.scid  }
0x4: {  	s28 =	rddreg [dreg:$0x3];
	s0 =	stileid.u32;
	s30 =	sand.u32 $0x1, s3  }
0x5: {  	s29 =	rddreg [dreg:$0x4];
	s5 =	sshll.u32 s0, $0xA;
	s6 =	sshll.u32 s30, $0x9  }
0x6: {  	s4 =	simm.s32 $0x0;
	s3 =	rddreg [dreg:$0x5];
	s18 =	sor.u32 s6, s5  }
0x7: {  	[smem:$0x7FF] =	sst s4;
	s5 =	sshrl.u32 s18, $0x3  }
0x8: {  	_ =	strace $0x80000047;
	s6 =	simm.s32 $0x5;
	s5 =	sadd.s32 s11, s5  }
0x9: {  	[tilespmem:s4], [sflag:$0x5] =	stream.linear.gather [hbm4b:s5+s4], $0x80, $0x38;
	[tilespmem:$0x10200] =	vst v63  }
0xa: {  	s21 =	sor.u32 $0x80, s18;
	_ =	swait.ge [sflag:s6], $0x80  }
0xb: {  	s7 =	sshrl.u32 s21, $0x3;
	[sflag:s6] =	ssyncset.done $0x0  }
0xc: {  	s8 =	simm.s32 $0x80;
	s7 =	sadd.s32 s11, s7;
	[sflag:s6] =	ssyncadd.s32 $0xFFFFFF80  }
0xd: {  	[tilespmem:s8], [sflag:$0x5] =	stream.linear.gather [hbm4b:s7+s4], $0x80, $0x38;
	[tilespmem:$0x10200] =	vst v63  }
0xe: {  	s24 =	sor.u32 $0x100, s18;
	_ =	swait.ge [sflag:s6], $0x80  }
0xf: {  	s9 =	sshrl.u32 s24, $0x3;
	[sflag:s6] =	ssyncset.done $0x0  }
0x10: {  	s10 =	simm.s32 $0x100;
	s9 =	sadd.s32 s11, s9;
	[sflag:s6] =	ssyncadd.s32 $0xFFFFFF80  }
0x11: {  	[tilespmem:s10], [sflag:$0x5] =	stream.linear.gather [hbm4b:s9+s4], $0x80, $0x38;
	[tilespmem:$0x10200] =	vst v63  }
0x12: {  	s31 =	sor.u32 $0x180, s18;
	_ =	swait.ge [sflag:s6], $0x80  }
0x13: {  	s12 =	sshrl.u32 s31, $0x3;
	[sflag:s6] =	ssyncset.done $0x0  }
0x14: {  	s11 =	sadd.s32 s11, s12;
	s12 =	simm.s32 $0x180;
	[sflag:s6] =	ssyncadd.s32 $0xFFFFFF80  }
0x15: {  	[tilespmem:s12], [sflag:$0x5] =	stream.linear.gather [hbm4b:s11+s4], $0x80, $0x38;
	[tilespmem:$0x10200] =	vst v63  }
0x16: {  	_ =	swait.ge [sflag:s6], $0x80  }
0x17: {  	[sflag:s6] =	ssyncset.done $0x0  }
0x18: {  	s13 =	simm.s32 $0x200;
	[sflag:s6] =	ssyncadd.s32 $0xFFFFFF80  }
0x19: {  	[tilespmem:s13], [sflag:$0x1] =	stream.indirect.gather [hbm4b:s1+s8], $0x80, s4, s8, $0xb8;
	[tilespmem:$0x10200] =	vst v63  }
0x1a: {  	s14 =	simm.s32 $0x4200  }
0x1b: {  	[tilespmem:s14], [sflag:$0x1] =	stream.indirect.gather [hbm4b:s2+s8], $0x80, s4, s8, $0xb8;
	[tilespmem:$0x10200] =	vst v63  }
0x1c: {  	s15 =	simm.s32 $0x8200  }
0x1d: {  	[tilespmem:s15], [sflag:$0x2] =	stream.indirect.gather [hbm4b:s1+s8], $0x80, s8, s8, $0xb8;
	[tilespmem:$0x10200] =	vst v63  }
0x1e: {  	s16 =	simm.s32 $0xC200;
	s17 =	simm.s32 $0x1  }
0x1f: {  	[tilespmem:s16], [sflag:$0x2] =	stream.indirect.gather [hbm4b:s2+s8], $0x80, s8, s8, $0xb8;
	[tilespmem:$0x10200] =	vst v63  }
0x20: {  	_ =	swait.ge [sflag:s17], $0x4000  }
0x21: {  	[sflag:s17] =	ssyncset.done $0x0  }
0x22: {  	[sflag:s17] =	ssyncadd.s32 $0xFFFFC000  }
0x23: {  	_ =	swait.ge [sflag:s17], $0x4000  }
0x24: {  	s19 =	sshll.u32 s18, $0x4;
	[sflag:s17] =	ssyncset.done $0x0  }
0x25: {  	s18 =	sadd.s32 s28, s19;
	[sflag:s17] =	ssyncadd.s32 $0xFFFFC000  }
0x26: {  	[hbm4b:s18+s4] =	stream.linear.scatter [tilespmem:s13], [sflag:$0x3], $0x4000, $0x38;
	[tilespmem:$0x10200] =	vst v63  }
0x27: {  	s20 =	simm.s32 $0x2;
	s19 =	sadd.s32 s29, s19  }
0x28: {  	[hbm4b:s19+s4] =	stream.linear.scatter [tilespmem:s14], [sflag:$0x3], $0x4000, $0x38;
	[tilespmem:$0x10200] =	vst v63  }
0x29: {  	_ =	swait.ge [sflag:s20], $0x4000  }
0x2a: {  	[sflag:s20] =	ssyncset.done $0x0  }
0x2b: {  	[sflag:s20] =	ssyncadd.s32 $0xFFFFC000  }
0x2c: {  	_ =	swait.ge [sflag:s20], $0x4000  }
0x2d: {  	s22 =	sshll.u32 s21, $0x4;
	[sflag:s20] =	ssyncset.done $0x0  }
0x2e: {  	s21 =	sadd.s32 s28, s22;
	[sflag:s20] =	ssyncadd.s32 $0xFFFFC000  }
0x2f: {  	[hbm4b:s21+s4] =	stream.linear.scatter [tilespmem:s15], [sflag:$0x4], $0x4000, $0x38;
	[tilespmem:$0x10200] =	vst v63  }
0x30: {  	s23 =	simm.s32 $0x3;
	s22 =	sadd.s32 s29, s22  }
0x31: {  	[hbm4b:s22+s4] =	stream.linear.scatter [tilespmem:s16], [sflag:$0x4], $0x4000, $0x38;
	[tilespmem:$0x10200] =	vst v63  }
0x32: {  	_ =	swait.ge [sflag:s23], $0x4000  }
0x33: {  	[sflag:s23] =	ssyncset.done $0x0  }
0x34: {  	[sflag:s23] =	ssyncadd.s32 $0xFFFFC000  }
0x35: {  	_ =	swait.ge [sflag:s23], $0x4000  }
0x36: {  	[sflag:s23] =	ssyncset.done $0x0  }
0x37: {  	[sflag:s23] =	ssyncadd.s32 $0xFFFFC000  }
0x38: {  	[tilespmem:s13], [sflag:$0x1] =	stream.indirect.gather [hbm4b:s1+s8], $0x80, s10, s8, $0xb8;
	[tilespmem:$0x10200] =	vst v63  }
0x39: {  	_ = 	snop  }
0x3a: {  	[tilespmem:s14], [sflag:$0x1] =	stream.indirect.gather [hbm4b:s2+s8], $0x80, s10, s8, $0xb8;
	[tilespmem:$0x10200] =	vst v63  }
0x3b: {  	_ =	swait.ge [sflag:s17], $0x4000  }
0x3c: {  	[sflag:s17] =	ssyncset.done $0x0  }
0x3d: {  	[sflag:s17] =	ssyncadd.s32 $0xFFFFC000  }
0x3e: {  	_ =	swait.ge [sflag:s17], $0x4000  }
0x3f: {  	s25 =	sshll.u32 s24, $0x4;
	[sflag:s17] =	ssyncset.done $0x0  }
0x40: {  	s24 =	sadd.s32 s28, s25;
	[sflag:s17] =	ssyncadd.s32 $0xFFFFC000  }
0x41: {  	[hbm4b:s24+s4] =	stream.linear.scatter [tilespmem:s13], [sflag:$0x3], $0x4000, $0x38;
	[tilespmem:$0x10200] =	vst v63  }
0x42: {  	s26 =	simm.s32 $0x4;
	s25 =	sadd.s32 s29, s25  }
0x43: {  	[hbm4b:s25+s4] =	stream.linear.scatter [tilespmem:s14], [sflag:$0x3], $0x4000, $0x38;
	[tilespmem:$0x10200] =	vst v63  }
0x44: {  	_ =	swait.ge [sflag:s26], $0x4000  }
0x45: {  	[sflag:s26] =	ssyncset.done $0x0  }
0x46: {  	[sflag:s26] =	ssyncadd.s32 $0xFFFFC000  }
0x47: {  	_ =	swait.ge [sflag:s26], $0x4000  }
0x48: {  	[sflag:s26] =	ssyncset.done $0x0  }
0x49: {  	[sflag:s26] =	ssyncadd.s32 $0xFFFFC000  }
0x4a: {  	[tilespmem:s15], [sflag:$0x2] =	stream.indirect.gather [hbm4b:s1+s8], $0x80, s12, s8, $0xb8;
	[tilespmem:$0x10200] =	vst v63  }
0x4b: {  	_ = 	snop  }
0x4c: {  	[tilespmem:s16], [sflag:$0x2] =	stream.indirect.gather [hbm4b:s2+s8], $0x80, s12, s8, $0xb8;
	[tilespmem:$0x10200] =	vst v63  }
0x4d: {  	_ =	swait.ge [sflag:s20], $0x4000  }
0x4e: {  	[sflag:s20] =	ssyncset.done $0x0  }
0x4f: {  	[sflag:s20] =	ssyncadd.s32 $0xFFFFC000  }
0x50: {  	_ =	swait.ge [sflag:s20], $0x4000  }
0x51: {  	s31 =	sshll.u32 s31, $0x4;
	[sflag:s20] =	ssyncset.done $0x0  }
0x52: {  	s28 =	sadd.s32 s28, s31;
	[sflag:s20] =	ssyncadd.s32 $0xFFFFC000  }
0x53: {  	[hbm4b:s28+s4] =	stream.linear.scatter [tilespmem:s15], [sflag:$0x4], $0x4000, $0x38;
	[tilespmem:$0x10200] =	vst v63  }
0x54: {  	s29 =	sadd.s32 s29, s31  }
0x55: {  	[hbm4b:s29+s4] =	stream.linear.scatter [tilespmem:s16], [sflag:$0x4], $0x4000, $0x38;
	[tilespmem:$0x10200] =	vst v63  }
0x56: {  	_ =	swait.ge [sflag:s23], $0x4000  }
0x57: {  	s30 =	ssub.s32 $0x2, s30;
	[sflag:s23] =	ssyncset.done $0x0  }
0x58: {  	s31 =	sshrl.u32 s30, $0x1;
	[sflag:s23] =	ssyncadd.s32 $0xFFFFC000  }
0x59: {  	s30 =	ssub.s32 s30, s31;
	_ =	swait.ge [sflag:s23], $0x4000  }
0x5a: {  	s30 =	smax.u32 s30, $0x1;
	[sflag:s23] =	ssyncset.done $0x0  }
0x5b: {  	p0 =	sne.s32 s30, $0x1;
	[sflag:s23] =	ssyncadd.s32 $0xFFFFC000  }
.Ltmp0:
0x5c: {  	_ =	swait.ge [sflag:s26], $0x4000;
	(pc) =	sbr.rel @!p0 .LBB2_2-.Ltmp0, $4  }
0x5d: {  	[sflag:s26] =	ssyncset.done $0x0  }
0x5e: {  	[sflag:s26] =	ssyncadd.s32 $0xFFFFC000  }
0x5f: {  	_ =	swait.ge [sflag:s26], $0x4000  }
0x60: {  	s30 =	sadd.s32 $0xFFFFFFFF, s30;
	[sflag:s26] =	ssyncset.done $0x0  }
.LBB2_1:
0x61: {  	p0 =	sne.s32 s30, $0x1;
	s30 =	sadd.s32 $0xFFFFFFFF, s30;
	[sflag:s26] =	ssyncadd.s32 $0xFFFFC000  }
0x62: {  	[tilespmem:s4], [sflag:$0x5] =	stream.linear.gather [hbm4b:s5+s4], $0x80, $0x38;
	[tilespmem:$0x10200] =	vst v63  }
0x63: {  	_ =	swait.ge [sflag:s6], $0x80  }
0x64: {  	[sflag:s6] =	ssyncset.done $0x0  }
0x65: {  	[sflag:s6] =	ssyncadd.s32 $0xFFFFFF80  }
0x66: {  	[tilespmem:s8], [sflag:$0x5] =	stream.linear.gather [hbm4b:s7+s4], $0x80, $0x38;
	[tilespmem:$0x10200] =	vst v63  }
0x67: {  	_ =	swait.ge [sflag:s6], $0x80  }
0x68: {  	[sflag:s6] =	ssyncset.done $0x0  }
0x69: {  	[sflag:s6] =	ssyncadd.s32 $0xFFFFFF80  }
0x6a: {  	[tilespmem:s10], [sflag:$0x5] =	stream.linear.gather [hbm4b:s9+s4], $0x80, $0x38;
	[tilespmem:$0x10200] =	vst v63  }
0x6b: {  	_ =	swait.ge [sflag:s6], $0x80  }
0x6c: {  	[sflag:s6] =	ssyncset.done $0x0  }
0x6d: {  	[sflag:s6] =	ssyncadd.s32 $0xFFFFFF80  }
0x6e: {  	[tilespmem:s12], [sflag:$0x5] =	stream.linear.gather [hbm4b:s11+s4], $0x80, $0x38;
	[tilespmem:$0x10200] =	vst v63  }
0x6f: {  	_ =	swait.ge [sflag:s6], $0x80  }
0x70: {  	[sflag:s6] =	ssyncset.done $0x0  }
0x71: {  	[sflag:s6] =	ssyncadd.s32 $0xFFFFFF80  }
0x72: {  	[tilespmem:s13], [sflag:$0x1] =	stream.indirect.gather [hbm4b:s1+s8], $0x80, s4, s8, $0xb8;
	[tilespmem:$0x10200] =	vst v63  }
0x73: {  	_ = 	snop  }
0x74: {  	[tilespmem:s14], [sflag:$0x1] =	stream.indirect.gather [hbm4b:s2+s8], $0x80, s4, s8, $0xb8;
	[tilespmem:$0x10200] =	vst v63  }
0x75: {  	_ = 	snop  }
0x76: {  	[tilespmem:s15], [sflag:$0x2] =	stream.indirect.gather [hbm4b:s1+s8], $0x80, s8, s8, $0xb8;
	[tilespmem:$0x10200] =	vst v63  }
0x77: {  	_ = 	snop  }
0x78: {  	[tilespmem:s16], [sflag:$0x2] =	stream.indirect.gather [hbm4b:s2+s8], $0x80, s8, s8, $0xb8;
	[tilespmem:$0x10200] =	vst v63  }
0x79: {  	_ =	swait.ge [sflag:s17], $0x4000  }
0x7a: {  	[sflag:s17] =	ssyncset.done $0x0  }
0x7b: {  	[sflag:s17] =	ssyncadd.s32 $0xFFFFC000  }
0x7c: {  	_ =	swait.ge [sflag:s17], $0x4000  }
0x7d: {  	[sflag:s17] =	ssyncset.done $0x0  }
0x7e: {  	[sflag:s17] =	ssyncadd.s32 $0xFFFFC000  }
0x7f: {  	[hbm4b:s18+s4] =	stream.linear.scatter [tilespmem:s13], [sflag:$0x3], $0x4000, $0x38;
	[tilespmem:$0x10200] =	vst v63  }
0x80: {  	_ = 	snop  }
0x81: {  	[hbm4b:s19+s4] =	stream.linear.scatter [tilespmem:s14], [sflag:$0x3], $0x4000, $0x38;
	[tilespmem:$0x10200] =	vst v63  }
0x82: {  	_ =	swait.ge [sflag:s20], $0x4000  }
0x83: {  	[sflag:s20] =	ssyncset.done $0x0  }
0x84: {  	[sflag:s20] =	ssyncadd.s32 $0xFFFFC000  }
0x85: {  	_ =	swait.ge [sflag:s20], $0x4000  }
0x86: {  	[sflag:s20] =	ssyncset.done $0x0  }
0x87: {  	[sflag:s20] =	ssyncadd.s32 $0xFFFFC000  }
0x88: {  	[hbm4b:s21+s4] =	stream.linear.scatter [tilespmem:s15], [sflag:$0x4], $0x4000, $0x38;
	[tilespmem:$0x10200] =	vst v63  }
0x89: {  	_ = 	snop  }
0x8a: {  	[hbm4b:s22+s4] =	stream.linear.scatter [tilespmem:s16], [sflag:$0x4], $0x4000, $0x38;
	[tilespmem:$0x10200] =	vst v63  }
0x8b: {  	_ =	swait.ge [sflag:s23], $0x4000  }
0x8c: {  	[sflag:s23] =	ssyncset.done $0x0  }
0x8d: {  	[sflag:s23] =	ssyncadd.s32 $0xFFFFC000  }
0x8e: {  	_ =	swait.ge [sflag:s23], $0x4000  }
0x8f: {  	[sflag:s23] =	ssyncset.done $0x0  }
0x90: {  	[sflag:s23] =	ssyncadd.s32 $0xFFFFC000  }
0x91: {  	[tilespmem:s13], [sflag:$0x1] =	stream.indirect.gather [hbm4b:s1+s8], $0x80, s10, s8, $0xb8;
	[tilespmem:$0x10200] =	vst v63  }
0x92: {  	_ = 	snop  }
0x93: {  	[tilespmem:s14], [sflag:$0x1] =	stream.indirect.gather [hbm4b:s2+s8], $0x80, s10, s8, $0xb8;
	[tilespmem:$0x10200] =	vst v63  }
0x94: {  	_ =	swait.ge [sflag:s17], $0x4000  }
0x95: {  	[sflag:s17] =	ssyncset.done $0x0  }
0x96: {  	[sflag:s17] =	ssyncadd.s32 $0xFFFFC000  }
0x97: {  	_ =	swait.ge [sflag:s17], $0x4000  }
0x98: {  	[sflag:s17] =	ssyncset.done $0x0  }
0x99: {  	[sflag:s17] =	ssyncadd.s32 $0xFFFFC000  }
0x9a: {  	[hbm4b:s24+s4] =	stream.linear.scatter [tilespmem:s13], [sflag:$0x3], $0x4000, $0x38;
	[tilespmem:$0x10200] =	vst v63  }
0x9b: {  	_ = 	snop  }
0x9c: {  	[hbm4b:s25+s4] =	stream.linear.scatter [tilespmem:s14], [sflag:$0x3], $0x4000, $0x38;
	[tilespmem:$0x10200] =	vst v63  }
0x9d: {  	_ =	swait.ge [sflag:s26], $0x4000  }
0x9e: {  	[sflag:s26] =	ssyncset.done $0x0  }
0x9f: {  	[sflag:s26] =	ssyncadd.s32 $0xFFFFC000  }
0xa0: {  	_ =	swait.ge [sflag:s26], $0x4000  }
0xa1: {  	[sflag:s26] =	ssyncset.done $0x0  }
0xa2: {  	[sflag:s26] =	ssyncadd.s32 $0xFFFFC000  }
0xa3: {  	[tilespmem:s15], [sflag:$0x2] =	stream.indirect.gather [hbm4b:s1+s8], $0x80, s12, s8, $0xb8;
	[tilespmem:$0x10200] =	vst v63  }
0xa4: {  	_ = 	snop  }
0xa5: {  	[tilespmem:s16], [sflag:$0x2] =	stream.indirect.gather [hbm4b:s2+s8], $0x80, s12, s8, $0xb8;
	[tilespmem:$0x10200] =	vst v63  }
0xa6: {  	_ =	swait.ge [sflag:s20], $0x4000  }
0xa7: {  	[sflag:s20] =	ssyncset.done $0x0  }
0xa8: {  	[sflag:s20] =	ssyncadd.s32 $0xFFFFC000  }
0xa9: {  	_ =	swait.ge [sflag:s20], $0x4000  }
0xaa: {  	[sflag:s20] =	ssyncset.done $0x0  }
0xab: {  	[sflag:s20] =	ssyncadd.s32 $0xFFFFC000  }
0xac: {  	[hbm4b:s28+s4] =	stream.linear.scatter [tilespmem:s15], [sflag:$0x4], $0x4000, $0x38;
	[tilespmem:$0x10200] =	vst v63  }
0xad: {  	_ = 	snop  }
0xae: {  	[hbm4b:s29+s4] =	stream.linear.scatter [tilespmem:s16], [sflag:$0x4], $0x4000, $0x38;
	[tilespmem:$0x10200] =	vst v63  }
0xaf: {  	_ =	swait.ge [sflag:s23], $0x4000  }
0xb0: {  	[sflag:s23] =	ssyncset.done $0x0  }
0xb1: {  	[sflag:s23] =	ssyncadd.s32 $0xFFFFC000  }
0xb2: {  	_ =	swait.ge [sflag:s23], $0x4000  }
0xb3: {  	[sflag:s23] =	ssyncset.done $0x0  }
0xb4: {  	[sflag:s23] =	ssyncadd.s32 $0xFFFFC000  }
.Ltmp1:
0xb5: {  	_ =	swait.ge [sflag:s26], $0x4000;
	(pc) =	sbr.rel @p0 .LBB2_1-.Ltmp1, $4  }
0xb6: {  	[sflag:s26] =	ssyncset.done $0x0  }
0xb7: {  	[sflag:s26] =	ssyncadd.s32 $0xFFFFC000  }
0xb8: {  	_ =	swait.ge [sflag:s26], $0x4000  }
0xb9: {  	[sflag:s26] =	ssyncset.done $0x0  }
.LBB2_2:
0xba: {  	[sflag:s26] =	ssyncadd.s32 $0xFFFFC000  }
0xbb: {  	_ =	sfence.sel $0x180000  }
0xbc: {  	[bflag:$0x0] =	sbarrier.arrive $0xFFFF  }
0xbd: {  	p0 =	sne.s32 s0, $0x0;
	_ =	strace $0x90000047  }
0xbe: {  	s0 =	sadd.s32 @!p0 $0x100000, s3;
	[bflag:$0x2] =	sbarrier.arrive $0xFFFF  }
0xbf: {  	[sflag:s0] =	ssyncadd.tile.s32 @!p0 $0x1;
	_ =	shalt  }
.Lfunc_end2:
_tile_overlayer_lowered:
.L_overlay_start_2:
0xc0: {  	(tag) =	ssettag $0x2  }
0xc1: {  	s0 =	rddreg [dreg:$0x0];
	s2 =	stileid.u32  }
0xc2: {  	s1 =	rddreg [dreg:$0x1];
	p0 =	sne.s32 s2, $0x0  }
0xc3: {  	s3 =	rddreg [dreg:$0x2];
	[bflag:$0x3] =	sbarrier.arrive $0xFFFF;
	s2 =	simm.s32 @!p0 $0x1C05  }
0xc4: {  	[timem:s3], [sflag:s2] =	dma.local @!p0 [hbm:s0], s1  }
0xc5: {  	s0 =	simm.s32 @!p0 $0x5  }
0xc6: {  	_ =	swait.ge @!p0 [sflag:s0], s1  }
0xc7: {  	s1 =	ssub.s32 @!p0 $0x0, s1;
	[sflag:s0] =	ssyncset.done @!p0 $0x0  }
0xc8: {  	[sflag:s0] =	ssyncadd.s32 @!p0 s1  }
0xc9: {  	[bflag:$0x3] =	sbarrier.arrive $0xFFFF  }
0xca: {  	_ =	shalt  }

// kernel: kernel.7.cloned.1.call-start
scs
__scs_entry_jumppad:
0x0: {  	(pc) =	sbr.rel $0x88, $3  }
0x1: {  	(tag) =	ssettag $0x0;
	lr =	simm.s32 $0x1  }
0x2: {  	[smem:$0x3F9D] =	sst lr;
	_ =	strace $0xD0000000  }
0x3: {  	_ = 	snop  }
0x4: {  	_ = 	snop  }
0x5: {  	_ = 	snop  }
0x6: {  	_ = 	snop  }
0x7: {  	_ = 	snop  }
__scs_overlays_trampoline_lowered:
0x8: {  	[smem:$0x3FAC] =	sst s0  }
0x9: {  	[smem:$0x3FAD] =	sst s1  }
0xa: {  	[smem:$0x3FAE] =	sst s2  }
0xb: {  	[smem:$0x3FAF] =	sst s3  }
0xc: {  	[smem:$0x3FB0] =	sst s4  }
0xd: {  	[smem:$0x3FB1] =	sst s5  }
0xe: {  	[smem:$0x3FB2] =	sst s6  }
0xf: {  	[smem:$0x3FB3] =	sst s7  }
0x10: {  	[smem:$0x3FB4] =	sst s8  }
0x11: {  	[smem:$0x3FB5] =	sst s9;
	s0 =	simm.s32 @!p0 $0x0  }
0x12: {  	s1 =	sld [smem:$0x3F9B];
	s0 =	simm.s32 @p0 $0x1  }
0x13: {  	[smem:$0x3FB6] =	sst s0;
	s0 =	simm.s32 @!p1 $0x0  }
0x14: {  	s2 =	sld [smem:$0x3F9A];
	s0 =	simm.s32 @p1 $0x1  }
0x15: {  	[smem:$0x3FB7] =	sst s0;
	s0 =	simm.s32 @!p2 $0x0  }
0x16: {  	s3 =	sld [smem:$0x3FDB];
	s0 =	simm.s32 @p2 $0x1  }
0x17: {  	s4 =	simm.s32 $0x1BF5;
	[smem:$0x3FB9] =	sst s0  }
0x18: {  	s0 =	sld [smem:$0x3F9C];
	_ =	swait.ge [sflag:s4], $0x0  }
0x19: {  	s7 =	sld [smem:$0x3F9D]  }
0x1a: {  	s8 =	sadd.s32 $0xFFFFE003, lr  }
0x1b: {  	s9 =	sadd.s32 $0xFFFFFEF7, lr;
	s5 =	simm.s32 $0xFFFFFFFF;
	p2 =	slt.u32 s8, $0xFFFFF086  }
0x1c: {  	p1 =	slt.u32 s9, $0xF7A;
	s5 =	simm.s32 @!p2 $0x0  }
0x1d: {  	s5 =	simm.s32 @p1 $0x1;
	p0 =	seq.s32 s7, s2  }
0x1e: {  	s7 =	smul.u32 @!p0 $0xF7A, s2;
	p2 =	seq.s32 @!p0 s5, $0x0  }
0x1f: {  	s9 =	smul.u32 $0xF7A, s1;
	s8 =	simm.s32 @!p0 $0x1BF5;
	p2 =	por !p2, p0  }
0x20: {  	[sflag:s8] =	ssyncset.s32 @!p0 $0xFFFFF086;
	s6 =	sadd.s32 @!p0 s3, s7;
	s7 =	simm.s32 @!p0 $0x108  }
0x21: {  	s3 =	sadd.s32 s3, s9;
	s6 =	sadd.s32 @!p0 $0x88, s6;
	s7 =	simm.s32 @p2 $0x1082  }
0x22: {  	[simem:s7], [sflag:s8] =	dma.local @!p0 [hbm:s6], $0xF7A  }
0x23: {  	s9 =	sor.u32 $0xD0000000, s2;
	s6 =	simm.s32 $0x108;
	_ =	swait.ge @!p0 [sflag:s8], $0x0  }
0x24: {  	s3 =	sadd.s32 $0x88, s3;
	s6 =	simm.s32 @!p1 $0x1082;
	[sflag:s4] =	ssyncset.s32 $0xFFFFF086  }
0x25: {  	[simem:s6], [sflag:s4] =	dma.local [hbm:s3], $0xF7A  }
0x26: {  	[smem:$0x3F9D] =	sst s1;
	(tag) =	ssettag s2;
	_ =	strace s9  }
0x27: {  	s1 =	sld [smem:$0x3FAD]  }
0x28: {  	s2 =	sld [smem:$0x3FAE]  }
0x29: {  	s4 =	sld [smem:$0x3FB0]  }
0x2a: {  	p0 =	seq.s32 s5, $0x0;
	s5 =	sld [smem:$0x3FB1]  }
0x2b: {  	s6 =	sld [smem:$0x3FB2]  }
0x2c: {  	s7 =	sld [smem:$0x3FB3]  }
0x2d: {  	s3 =	simm.s32 $0x108;
	s8 =	sld [smem:$0x3FB4]  }
0x2e: {  	s3 =	simm.s32 @!p0 $0x1082;
	s9 =	sld [smem:$0x3FB5]  }
0x2f: {  	lr =	sadd.s32 s0, s3;
	s0 =	sld [smem:$0x3FAC]  }
0x30: {  	s3 =	sld [smem:$0x3FAF]  }
0x31: {  	[smem:$0x3FB8] =	sst s10  }
0x32: {  	s10 =	sld [smem:$0x3FB6];
	_ =	sdelay $0x3  }
0x33: {  	p0 =	seq.s32 s10, $0x1;
	s10 =	sld [smem:$0x3FB8];
	_ =	sdelay $0x3  }
0x34: {  	[smem:$0x3FB8] =	sst s10  }
0x35: {  	s10 =	sld [smem:$0x3FB7];
	_ =	sdelay $0x3  }
0x36: {  	p1 =	seq.s32 s10, $0x1;
	s10 =	sld [smem:$0x3FB8];
	_ =	sdelay $0x3  }
0x37: {  	[smem:$0x3FB8] =	sst s10  }
0x38: {  	s10 =	sld [smem:$0x3FB9]  }
0x39: {  	_ = 	snop;
	(pc) =	sbr.ind lr, $3  }
0x3a: {  	_ = 	snop  }
0x3b: {  	_ = 	snop  }
0x3c: {  	p2 =	seq.s32 s10, $0x1;
	s10 =	sld [smem:$0x3FB8]  }
0x3d: {  	_ =	shalt  }
0x3e: {  	_ =	shalt  }
0x3f: {  	_ =	shalt  }
0x40: {  	_ =	shalt  }
0x41: {  	_ =	shalt  }
0x42: {  	_ =	shalt  }
0x43: {  	_ =	shalt  }
0x44: {  	_ =	shalt  }
0x45: {  	_ =	shalt  }
0x46: {  	_ =	shalt  }
0x47: {  	_ =	shalt  }
0x48: {  	_ =	shalt  }
0x49: {  	_ =	shalt  }
0x4a: {  	_ =	shalt  }
0x4b: {  	_ =	shalt  }
0x4c: {  	_ =	shalt  }
0x4d: {  	_ =	shalt  }
0x4e: {  	_ =	shalt  }
0x4f: {  	_ =	shalt  }
0x50: {  	_ =	shalt  }
0x51: {  	_ =	shalt  }
0x52: {  	_ =	shalt  }
0x53: {  	_ =	shalt  }
0x54: {  	_ =	shalt  }
0x55: {  	_ =	shalt  }
0x56: {  	_ =	shalt  }
0x57: {  	_ =	shalt  }
0x58: {  	_ =	shalt  }
0x59: {  	_ =	shalt  }
0x5a: {  	_ =	shalt  }
0x5b: {  	_ =	shalt  }
0x5c: {  	_ =	shalt  }
0x5d: {  	_ =	shalt  }
0x5e: {  	_ =	shalt  }
0x5f: {  	_ =	shalt  }
0x60: {  	_ =	shalt  }
0x61: {  	_ =	shalt  }
0x62: {  	_ =	shalt  }
0x63: {  	_ =	shalt  }
0x64: {  	_ =	shalt  }
0x65: {  	_ =	shalt  }
0x66: {  	_ =	shalt  }
0x67: {  	_ =	shalt  }
0x68: {  	_ =	shalt  }
0x69: {  	_ =	shalt  }
0x6a: {  	_ =	shalt  }
0x6b: {  	_ =	shalt  }
0x6c: {  	_ =	shalt  }
0x6d: {  	_ =	shalt  }
0x6e: {  	_ =	shalt  }
0x6f: {  	_ =	shalt  }
0x70: {  	_ =	shalt  }
0x71: {  	_ =	shalt  }
0x72: {  	_ =	shalt  }
0x73: {  	_ =	shalt  }
0x74: {  	_ =	shalt  }
0x75: {  	_ =	shalt  }
0x76: {  	_ =	shalt  }
0x77: {  	_ =	shalt  }
0x78: {  	_ =	shalt  }
0x79: {  	_ =	shalt  }
0x7a: {  	_ =	shalt  }
0x7b: {  	_ =	shalt  }
0x7c: {  	_ =	shalt  }
0x7d: {  	_ =	shalt  }
0x7e: {  	_ =	shalt  }
0x7f: {  	_ =	shalt  }
0x80: {  	_ =	shalt  }
0x81: {  	_ =	shalt  }
0x82: {  	_ =	shalt  }
0x83: {  	_ =	shalt  }
0x84: {  	_ =	shalt  }
0x85: {  	_ =	shalt  }
0x86: {  	_ =	shalt  }
0x87: {  	_ =	shalt  }
.Lfunc_end0:
.L_simem_size_0:
called_computation.1_lowered:
.L_overlay_start_0:
0x88: {  	s2 =	sld [smem:$0x3FD9]  }
0x89: {  	s3 =	sld [smem:$0x3FFE];
	_ =	sdelay $0x1  }
0x8a: {  	s1 =	srdreg.scid  }
0x8b: {  	s0 =	sand.u32 $0x1, s1  }
0x8c: {  	s17 =	sshll.u32 s0, $0xA;
	s2 =	sadd.s32 s3, s2  }
0x8d: {  	s2 =	sadd.s32 s2, s17  }
0x8e: {  	[smem:$0x3FC4] =	sst s2  }
0x8f: {  	_ = 	snop  }
0x90: {  	s2 =	sld [smem:$0x3FC9];
	(tm) =	ssettm $0x1  }
0x91: {  	s18 =	sld [smem:$0x3FFB];
	_ =	sdelay $0x3  }
0x92: {  	_ =	strace s18  }
0x93: {  	s3 =	sld [smem:$0x3FFC];
	_ =	sdelay $0x3  }
0x94: {  	_ =	strace s3  }
0x95: {  	s3 =	sld [smem:$0x3FFD];
	_ =	sdelay $0x3  }
0x96: {  	_ =	strace s3  }
0x97: {  	_ =	strace $0x8FFFFFFF  }
0x98: {  	s19 =	sld [smem:$0x3FDB];
	_ =	sdelay $0x1  }
0x99: {  	s4 =	simm.s32 $_scs_section_size  }
0x9a: {  	s5 =	simm.s32 $_size__tile_overlayer_lowered;
	s6 =	simm.s32 $_tile_overlayer_lowered  }
0x9b: {  	s22 =	simm.s32 $0x1BFF;
	s21 =	sshll.u32 s6, $0x1;
	s3 =	sadd.s32 s4, s19  }
0x9c: {  	s7 =	simm.s32 $0x0;
	s20 =	sshll.u32 s5, $0x1;
	s5 =	sadd.s32 s21, s3  }
0x9d: {  	[timem:s7], [sflag:s22] =	dma.local [hbm:s5], s20  }
0x9e: {  	_ =	swait.ge [sflag:s22], s20  }
0x9f: {  	s4 =	ssub.s32 $0x0, s20;
	[sflag:s22] =	ssyncset.done $0x0  }
0xa0: {  	[sflag:s22] =	ssyncadd.s32 s4;
	_ =	sdelay $0x1  }
0xa1: {  	s23 =	simm.s32 $0x1B8B  }
0xa2: {  	_ =	swait.ge [sflag:s23], $0x1  }
0xa3: {  	[sflag:s23] =	ssyncset.done $0x0  }
0xa4: {  	s25 =	simm.s32 $0x1B8E;
	s24 =	sld [smem:$0x3FFE];
	[sflag:s23] =	ssyncadd.s32 $0xFFFFFFFF  }
0xa5: {  	s26 =	simm.s32 $execute0_lowered;
	[smem:$0x3FD2] =	sst s25  }
0xa6: {  	s5 =	sshll.u32 s26, $0x1;
	_ =	strace $0x80000049;
	[dreg:$0x1] =	wrdreg $0xFFFFFFFF  }
0xa7: {  	s28 =	simm.s32 $_size_execute0_lowered;
	s3 =	sadd.s32 s3, s5;
	[dreg:$0x0] =	wrdreg $0x0  }
0xa8: {  	s5 =	sshll.u32 s28, $0x1;
	[dreg:$0x2] =	wrdreg s3  }
0xa9: {  	[dreg:$0x3] =	wrdreg s5  }
0xaa: {  	[dreg:$0x4] =	wrdreg $0xC0  }
0xab: {  	_ =	task [dreg:s7], $0x5FFFF  }
0xac: {  	[dreg:$0x1] =	wrdreg $0xFFFFFFFF  }
0xad: {  	[dreg:$0x0] =	wrdreg $0x60  }
0xae: {  	[dreg:$0x2] =	wrdreg s2  }
0xaf: {  	[dreg:$0x3] =	wrdreg s24  }
0xb0: {  	[dreg:$0x4] =	wrdreg $0x9  }
0xb1: {  	_ =	task.clear_ibuf [dreg:s7], $0x5FFFF;
	_ =	strace $0x90000049  }
0xb2: {  	s29 =	simm.s32 $0x9;
	_ =	strace $0x8000004B  }
0xb3: {  	_ =	swait.ge [sflag:s29], $0x1  }
0xb4: {  	[sflag:s29] =	ssyncadd.s32 $0xFFFFFFFF  }
0xb5: {  	_ =	strace $0x9000004B  }
0xb6: {  	_ =	sfence  }
0xb7: {  	s30 =	sld [smem:$0x0];
	_ =	sdelay $0x2  }
0xb8: {  	s31 =	sshll.u32 s1, $0xD;
	s1 =	sshrl.u32 s1, $0x2  }
0xb9: {  	s3 =	sand.u32 $0x4000, s31;
	s1 =	sadd.s32 s1, s30  }
0xba: {  	s0 =	sor.u32 s3, s0;
	s1 =	sshll.u32 s1, $0x11  }
0xbb: {  	s0 =	sor.u32 s1, s0  }
0xbc: {  	s0 =	sadd.s32 $0x8F2B, s0  }
0xbd: {  	[sflag:s0] =	ssyncadd.remote.s32 $0x1  }
0xbe: {  	_ =	sfence.sel $0xFFFF  }
0xbf: {  	[dreg:$0x0] =	wrdreg $0xFFFFFFFF;
	(pc) =	sbr.abs _section_cstart, $3  }
0xc0: {  	[dreg:$0x1] =	wrdreg $0xFFFFFFFF  }
0xc1: {  	_ =	task.clear_ibuf [dreg:s7], $0x2FFFF;
	_ =	strace $0x9FFFFFFF  }
0xc2: {  	(tm) =	ssettm $0x7FFFFFFF  }
0xc3: {  	_ =	shalt  }
tec
execute0_lowered:
.L_overlay_start_1:
0x0: {  	(tag) =	ssettag $0x1  }
0x1: {  	s1 =	srdreg.scid  }
0x2: {  	s9 =	rddreg [dreg:$0x0];
	s0 =	stileid.u32;
	s21 =	sand.u32 $0x1, s1  }
0x3: {  	s15 =	rddreg [dreg:$0x1];
	s3 =	sshll.u32 s0, $0xA;
	s4 =	sshll.u32 s21, $0x9  }
0x4: {  	s2 =	simm.s32 $0x0;
	s1 =	rddreg [dreg:$0x2];
	s16 =	sor.u32 s4, s3  }
0x5: {  	[smem:$0x7FF] =	sst s2;
	s3 =	sshrl.u32 s16, $0x3  }
0x6: {  	_ =	strace $0x8000004A;
	s4 =	simm.s32 $0x5;
	s3 =	sadd.s32 s9, s3  }
0x7: {  	[tilespmem:s2], [sflag:$0x5] =	stream.linear.gather [hbm4b:s3+s2], $0x80, $0x38;
	[tilespmem:$0x8200] =	vst v63  }
0x8: {  	s17 =	sor.u32 $0x80, s16;
	_ =	swait.ge [sflag:s4], $0x80  }
0x9: {  	s5 =	sshrl.u32 s17, $0x3;
	[sflag:s4] =	ssyncset.done $0x0  }
0xa: {  	s6 =	simm.s32 $0x80;
	s5 =	sadd.s32 s9, s5;
	[sflag:s4] =	ssyncadd.s32 $0xFFFFFF80  }
0xb: {  	[tilespmem:s6], [sflag:$0x5] =	stream.linear.gather [hbm4b:s5+s2], $0x80, $0x38;
	[tilespmem:$0x8200] =	vst v63  }
0xc: {  	s19 =	sor.u32 $0x100, s16;
	_ =	swait.ge [sflag:s4], $0x80  }
0xd: {  	s7 =	sshrl.u32 s19, $0x3;
	[sflag:s4] =	ssyncset.done $0x0  }
0xe: {  	s8 =	simm.s32 $0x100;
	s7 =	sadd.s32 s9, s7;
	[sflag:s4] =	ssyncadd.s32 $0xFFFFFF80  }
0xf: {  	[tilespmem:s8], [sflag:$0x5] =	stream.linear.gather [hbm4b:s7+s2], $0x80, $0x38;
	[tilespmem:$0x8200] =	vst v63  }
0x10: {  	s22 =	sor.u32 $0x180, s16;
	_ =	swait.ge [sflag:s4], $0x80  }
0x11: {  	s10 =	sshrl.u32 s22, $0x3;
	[sflag:s4] =	ssyncset.done $0x0  }
0x12: {  	s9 =	sadd.s32 s9, s10;
	s10 =	simm.s32 $0x180;
	[sflag:s4] =	ssyncadd.s32 $0xFFFFFF80  }
0x13: {  	[tilespmem:s10], [sflag:$0x5] =	stream.linear.gather [hbm4b:s9+s2], $0x80, $0x38;
	[tilespmem:$0x8200] =	vst v63  }
0x14: {  	_ =	swait.ge [sflag:s4], $0x80  }
0x15: {  	[sflag:s4] =	ssyncset.done $0x0  }
0x16: {  	s12 =	simm.s32 $0x200;
	s11 =	sadd.s32 $0x187800, s15;
	[sflag:s4] =	ssyncadd.s32 $0xFFFFFF80  }
0x17: {  	[tilespmem:s12], [sflag:$0x1] =	stream.indirect.gather [hbm4b:s11+s6], $0x80, s2, s6, $0xb8;
	[tilespmem:$0x8200] =	vst v63  }
0x18: {  	s13 =	simm.s32 $0x4200;
	s14 =	simm.s32 $0x1  }
0x19: {  	[tilespmem:s13], [sflag:$0x2] =	stream.indirect.gather [hbm4b:s11+s6], $0x80, s6, s6, $0xb8;
	[tilespmem:$0x8200] =	vst v63  }
0x1a: {  	_ =	swait.ge [sflag:s14], $0x4000  }
0x1b: {  	s23 =	sadd.s32 $0xE00, s15;
	s30 =	sshll.u32 s16, $0x4;
	[sflag:s14] =	ssyncset.done $0x0  }
0x1c: {  	s16 =	simm.s32 $0x2;
	s15 =	sadd.s32 s23, s30;
	[sflag:s14] =	ssyncadd.s32 $0xFFFFC000  }
0x1d: {  	[hbm4b:s15+s2] =	stream.linear.scatter [tilespmem:s12], [sflag:$0x3], $0x4000, $0x38;
	[tilespmem:$0x8200] =	vst v63  }
0x1e: {  	_ =	swait.ge [sflag:s16], $0x4000  }
0x1f: {  	s17 =	sshll.u32 s17, $0x4;
	[sflag:s16] =	ssyncset.done $0x0  }
0x20: {  	s18 =	simm.s32 $0x3;
	s17 =	sadd.s32 s23, s17;
	[sflag:s16] =	ssyncadd.s32 $0xFFFFC000  }
0x21: {  	[hbm4b:s17+s2] =	stream.linear.scatter [tilespmem:s13], [sflag:$0x4], $0x4000, $0x38;
	[tilespmem:$0x8200] =	vst v63  }
0x22: {  	_ =	swait.ge [sflag:s18], $0x4000  }
0x23: {  	[sflag:s18] =	ssyncset.done $0x0  }
0x24: {  	[sflag:s18] =	ssyncadd.s32 $0xFFFFC000  }
0x25: {  	[tilespmem:s12], [sflag:$0x1] =	stream.indirect.gather [hbm4b:s11+s6], $0x80, s8, s6, $0xb8;
	[tilespmem:$0x8200] =	vst v63  }
0x26: {  	_ =	swait.ge [sflag:s14], $0x4000  }
0x27: {  	s19 =	sshll.u32 s19, $0x4;
	[sflag:s14] =	ssyncset.done $0x0  }
0x28: {  	s20 =	sadd.s32 s23, s19;
	s19 =	simm.s32 $0x4;
	[sflag:s14] =	ssyncadd.s32 $0xFFFFC000  }
0x29: {  	[hbm4b:s20+s2] =	stream.linear.scatter [tilespmem:s12], [sflag:$0x3], $0x4000, $0x38;
	[tilespmem:$0x8200] =	vst v63  }
0x2a: {  	_ =	swait.ge [sflag:s19], $0x4000  }
0x2b: {  	s24 =	ssub.s32 $0x2, s21;
	[sflag:s19] =	ssyncset.done $0x0  }
0x2c: {  	s31 =	sshrl.u32 s24, $0x1;
	s22 =	sshll.u32 s22, $0x4;
	[sflag:s19] =	ssyncadd.s32 $0xFFFFC000  }
0x2d: {  	[tilespmem:s13], [sflag:$0x2] =	stream.indirect.gather [hbm4b:s11+s6], $0x80, s10, s6, $0xb8;
	[tilespmem:$0x8200] =	vst v63  }
0x2e: {  	s21 =	sadd.s32 s23, s22;
	s22 =	ssub.s32 s24, s31;
	_ =	swait.ge [sflag:s16], $0x4000  }
0x2f: {  	s22 =	smax.u32 s22, $0x1;
	[sflag:s16] =	ssyncset.done $0x0  }
0x30: {  	p0 =	sne.s32 s22, $0x1;
	[sflag:s16] =	ssyncadd.s32 $0xFFFFC000  }
0x31: {  	[hbm4b:s21+s2] =	stream.linear.scatter [tilespmem:s13], [sflag:$0x4], $0x4000, $0x38;
	[tilespmem:$0x8200] =	vst v63  }
.Ltmp0:
0x32: {  	_ =	swait.ge [sflag:s18], $0x4000;
	(pc) =	sbr.rel @!p0 .LBB2_2-.Ltmp0, $4  }
0x33: {  	[sflag:s18] =	ssyncset.done $0x0  }
0x34: {  	[sflag:s18] =	ssyncadd.s32 $0xFFFFC000  }
0x35: {  	_ =	swait.ge [sflag:s19], $0x4000  }
0x36: {  	s22 =	sadd.s32 $0xFFFFFFFF, s22;
	[sflag:s19] =	ssyncset.done $0x0  }
.LBB2_1:
0x37: {  	p0 =	sne.s32 s22, $0x1;
	s22 =	sadd.s32 $0xFFFFFFFF, s22;
	[sflag:s19] =	ssyncadd.s32 $0xFFFFC000  }
0x38: {  	[tilespmem:s2], [sflag:$0x5] =	stream.linear.gather [hbm4b:s3+s2], $0x80, $0x38;
	[tilespmem:$0x8200] =	vst v63  }
0x39: {  	_ =	swait.ge [sflag:s4], $0x80  }
0x3a: {  	[sflag:s4] =	ssyncset.done $0x0  }
0x3b: {  	[sflag:s4] =	ssyncadd.s32 $0xFFFFFF80  }
0x3c: {  	[tilespmem:s6], [sflag:$0x5] =	stream.linear.gather [hbm4b:s5+s2], $0x80, $0x38;
	[tilespmem:$0x8200] =	vst v63  }
0x3d: {  	_ =	swait.ge [sflag:s4], $0x80  }
0x3e: {  	[sflag:s4] =	ssyncset.done $0x0  }
0x3f: {  	[sflag:s4] =	ssyncadd.s32 $0xFFFFFF80  }
0x40: {  	[tilespmem:s8], [sflag:$0x5] =	stream.linear.gather [hbm4b:s7+s2], $0x80, $0x38;
	[tilespmem:$0x8200] =	vst v63  }
0x41: {  	_ =	swait.ge [sflag:s4], $0x80  }
0x42: {  	[sflag:s4] =	ssyncset.done $0x0  }
0x43: {  	[sflag:s4] =	ssyncadd.s32 $0xFFFFFF80  }
0x44: {  	[tilespmem:s10], [sflag:$0x5] =	stream.linear.gather [hbm4b:s9+s2], $0x80, $0x38;
	[tilespmem:$0x8200] =	vst v63  }
0x45: {  	_ =	swait.ge [sflag:s4], $0x80  }
0x46: {  	[sflag:s4] =	ssyncset.done $0x0  }
0x47: {  	[sflag:s4] =	ssyncadd.s32 $0xFFFFFF80  }
0x48: {  	[tilespmem:s12], [sflag:$0x1] =	stream.indirect.gather [hbm4b:s11+s6], $0x80, s2, s6, $0xb8;
	[tilespmem:$0x8200] =	vst v63  }
0x49: {  	_ = 	snop  }
0x4a: {  	[tilespmem:s13], [sflag:$0x2] =	stream.indirect.gather [hbm4b:s11+s6], $0x80, s6, s6, $0xb8;
	[tilespmem:$0x8200] =	vst v63  }
0x4b: {  	_ =	swait.ge [sflag:s14], $0x4000  }
0x4c: {  	[sflag:s14] =	ssyncset.done $0x0  }
0x4d: {  	[sflag:s14] =	ssyncadd.s32 $0xFFFFC000  }
0x4e: {  	[hbm4b:s15+s2] =	stream.linear.scatter [tilespmem:s12], [sflag:$0x3], $0x4000, $0x38;
	[tilespmem:$0x8200] =	vst v63  }
0x4f: {  	_ =	swait.ge [sflag:s16], $0x4000  }
0x50: {  	[sflag:s16] =	ssyncset.done $0x0  }
0x51: {  	[sflag:s16] =	ssyncadd.s32 $0xFFFFC000  }
0x52: {  	[hbm4b:s17+s2] =	stream.linear.scatter [tilespmem:s13], [sflag:$0x4], $0x4000, $0x38;
	[tilespmem:$0x8200] =	vst v63  }
0x53: {  	_ =	swait.ge [sflag:s18], $0x4000  }
0x54: {  	[sflag:s18] =	ssyncset.done $0x0  }
0x55: {  	[sflag:s18] =	ssyncadd.s32 $0xFFFFC000  }
0x56: {  	[tilespmem:s12], [sflag:$0x1] =	stream.indirect.gather [hbm4b:s11+s6], $0x80, s8, s6, $0xb8;
	[tilespmem:$0x8200] =	vst v63  }
0x57: {  	_ =	swait.ge [sflag:s14], $0x4000  }
0x58: {  	[sflag:s14] =	ssyncset.done $0x0  }
0x59: {  	[sflag:s14] =	ssyncadd.s32 $0xFFFFC000  }
0x5a: {  	[hbm4b:s20+s2] =	stream.linear.scatter [tilespmem:s12], [sflag:$0x3], $0x4000, $0x38;
	[tilespmem:$0x8200] =	vst v63  }
0x5b: {  	_ =	swait.ge [sflag:s19], $0x4000  }
0x5c: {  	[sflag:s19] =	ssyncset.done $0x0  }
0x5d: {  	[sflag:s19] =	ssyncadd.s32 $0xFFFFC000  }
0x5e: {  	[tilespmem:s13], [sflag:$0x2] =	stream.indirect.gather [hbm4b:s11+s6], $0x80, s10, s6, $0xb8;
	[tilespmem:$0x8200] =	vst v63  }
0x5f: {  	_ =	swait.ge [sflag:s16], $0x4000  }
0x60: {  	[sflag:s16] =	ssyncset.done $0x0  }
0x61: {  	[sflag:s16] =	ssyncadd.s32 $0xFFFFC000  }
0x62: {  	[hbm4b:s21+s2] =	stream.linear.scatter [tilespmem:s13], [sflag:$0x4], $0x4000, $0x38;
	[tilespmem:$0x8200] =	vst v63  }
.Ltmp1:
0x63: {  	_ =	swait.ge [sflag:s18], $0x4000;
	(pc) =	sbr.rel @p0 .LBB2_1-.Ltmp1, $4  }
0x64: {  	[sflag:s18] =	ssyncset.done $0x0  }
0x65: {  	[sflag:s18] =	ssyncadd.s32 $0xFFFFC000  }
0x66: {  	_ =	swait.ge [sflag:s19], $0x4000  }
0x67: {  	[sflag:s19] =	ssyncset.done $0x0  }
.LBB2_2:
0x68: {  	[sflag:s19] =	ssyncadd.s32 $0xFFFFC000  }
0x69: {  	_ =	sfence.sel $0x180000  }
0x6a: {  	[bflag:$0x0] =	sbarrier.arrive $0xFFFF  }
0x6b: {  	p0 =	sne.s32 s0, $0x0;
	_ =	strace $0x9000004A  }
0x6c: {  	s0 =	sadd.s32 @!p0 $0x100000, s1;
	[bflag:$0x2] =	sbarrier.arrive $0xFFFF  }
0x6d: {  	[sflag:s0] =	ssyncadd.tile.s32 @!p0 $0x1;
	_ =	shalt  }
.Lfunc_end2:
_tile_overlayer_lowered:
.L_overlay_start_2:
0x6e: {  	(tag) =	ssettag $0x2  }
0x6f: {  	s0 =	rddreg [dreg:$0x0];
	s2 =	stileid.u32  }
0x70: {  	s1 =	rddreg [dreg:$0x1];
	p0 =	sne.s32 s2, $0x0  }
0x71: {  	s3 =	rddreg [dreg:$0x2];
	[bflag:$0x3] =	sbarrier.arrive $0xFFFF;
	s2 =	simm.s32 @!p0 $0x1C05  }
0x72: {  	[timem:s3], [sflag:s2] =	dma.local @!p0 [hbm:s0], s1  }
0x73: {  	s0 =	simm.s32 @!p0 $0x5  }
0x74: {  	_ =	swait.ge @!p0 [sflag:s0], s1  }
0x75: {  	s1 =	ssub.s32 @!p0 $0x0, s1;
	[sflag:s0] =	ssyncset.done @!p0 $0x0  }
0x76: {  	[sflag:s0] =	ssyncadd.s32 @!p0 s1  }
0x77: {  	[bflag:$0x3] =	sbarrier.arrive $0xFFFF  }
0x78: {  	_ =	shalt  }

</sc_bundles>
